<compile_context>
chip_gen: v7x
topology: tpu7x:2x2x1
jax: 0.10.2.dev20260603
libtpu: 0.0.44.dev20260713+nightly
codegen_flags: <defaults>
</compile_context>

<pallas_src>
import functools

import jax
import jax.numpy as jnp
from jax import lax
from jax.experimental import pallas as pl
from jax.experimental.pallas import tpu as pltpu
from jax.experimental.pallas import tpu_sc as plsc

_INTERPRET = False

_B = 4
_NP = 8192
_NC = 2048
_N = _NP + _NC
_CD = 128
_HID = 256
_RESO = 32
_NV = _RESO ** 3
_ROT = 576
_INV = 1.0 / (1.0 + 0.1 + 1e-3)

_CS = 32
_NCS = _CD // _CS
_PT = _N // 16
_NJ = _PT // 128
_VT = _NV // 16


def _vox_index(coords):
    xn = jnp.clip(coords * _INV + 0.5, 0.0, 1.0 - 1e-4)
    xi = jnp.clip((xn * _RESO).astype(jnp.int32), 0, _RESO - 1)
    return xi[..., 0] + _RESO * (xi[..., 1] + _RESO * xi[..., 2])


_PA = 2048


def _ptmlp_body(pts_ref, wp_ref, bp_ref, wc_ref, bc_ref,
                f0_ref, f1_ref, f2_ref, f3_ref, idx_ref):
    jb = pl.program_id(1)
    pts = pts_ref[0, 0]
    gidx = lax.broadcasted_iota(jnp.int32, (_PA, 1), 0) + jb * _PA
    cls_bias = jnp.where(gidx < _NP, wp_ref[3:4, :], wp_ref[4:5, :])
    h = jnp.maximum(pts @ wp_ref[:3, :] + cls_bias + bp_ref[0:1, :], 0.0)
    feat = h @ wc_ref[...] + bc_ref[0:1, :]
    f0_ref[0, 0] = feat[:, 0:32]
    f1_ref[0, 0] = feat[:, 32:64]
    f2_ref[0, 0] = feat[:, 64:96]
    f3_ref[0, 0] = feat[:, 96:128]
    idx_ref[0, 0] = _vox_index(pts).reshape(_PA // 128, 128)


def _phase_a(pts, W_pos, b_pos, W_c, b_c):
    nb = _N // _PA
    fspec = pl.BlockSpec((1, 1, _PA, _CS), lambda b, j: (b, j, 0, 0))
    fshape = jax.ShapeDtypeStruct((_B, nb, _PA, _CS), jnp.float32)
    return pl.pallas_call(
        _ptmlp_body,
        grid=(_B, nb),
        in_specs=[
            pl.BlockSpec((1, 1, _PA, 3), lambda b, j: (b, j, 0, 0)),
            pl.BlockSpec((5, _CD), lambda b, j: (0, 0)),
            pl.BlockSpec((1, _CD), lambda b, j: (0, 0)),
            pl.BlockSpec((_CD, _CD), lambda b, j: (0, 0)),
            pl.BlockSpec((1, _CD), lambda b, j: (0, 0)),
        ],
        out_specs=[
            fspec, fspec, fspec, fspec,
            pl.BlockSpec((1, 1, _PA // 128, 128), lambda b, j: (b, j, 0, 0)),
        ],
        out_shape=[
            fshape, fshape, fshape, fshape,
            jax.ShapeDtypeStruct((_B, nb, _PA // 128, 128), jnp.int32),
        ],
        interpret=_INTERPRET,
    )(pts.reshape(_B, nb, _PA, 3), W_pos, b_pos.reshape(1, _CD), W_c,
      b_c.reshape(1, _CD))


def _mean_body(cpcd_ref, midx_ref):
    cmean = jnp.mean(cpcd_ref[0], axis=0)
    midx_ref[0, 0] = jnp.full((128,), _vox_index(cmean), jnp.int32)


def _phase_mean(cpcd):
    return pl.pallas_call(
        _mean_body,
        grid=(_B,),
        in_specs=[pl.BlockSpec((1, _NC, 3), lambda b: (b, 0, 0))],
        out_specs=pl.BlockSpec((1, 1, 128), lambda b: (b, 0, 0)),
        out_shape=jax.ShapeDtypeStruct((_B, 1, 128), jnp.int32),
        interpret=_INTERPRET,
    )(cpcd)


def _phase_b(f0, f1, f2, f3, idxr, midx128):
    mesh = plsc.VectorSubcoreMesh(core_axis_name="c", subcore_axis_name="s",
                                  num_cores=2, num_subcores=16)
    pshape = jax.ShapeDtypeStruct((_B, _N, _CS), jnp.float32)

    @functools.partial(
        pl.kernel,
        out_type=[
            pshape, pshape, pshape, pshape,
            jax.ShapeDtypeStruct((_B, _N, _CS), jnp.float32),
            jax.ShapeDtypeStruct((_B, _NCS, 128, _CS), jnp.float32),
            jax.ShapeDtypeStruct((_B, 128, _CS), jnp.float32),
        ],
        mesh=mesh,
        scratch_types=[
            pltpu.VMEM_SHARED((_NV, _CS), jnp.float32),
            pltpu.VMEM((_NJ, 1, 128), jnp.int32),
            pltpu.VMEM((128, _CS), jnp.float32),
            pltpu.VMEM((128, _CS), jnp.float32),
            pltpu.VMEM((128, _CS), jnp.float32),
            pltpu.VMEM((1, 128), jnp.int32),
        ],
        interpret=_INTERPRET,
    )
    def body(f0_h, f1_h, f2_h, f3_h, idx_h, midx_h,
             p0_h, p1_h, p2_h, p3_h, pcnt_h, gfea_h, gcnt_h,
             sums_sh, ibuf, fbuf, zrow, obuf, mbuf):
        cid = lax.axis_index("c")
        sid = lax.axis_index("s")
        feats = [f0_h, f1_h, f2_h, f3_h]
        psums = [p0_h, p1_h, p2_h, p3_h]
        zv = jnp.zeros((16,), jnp.float32)
        ov = jnp.ones((16,), jnp.float32)

        def fill(i, _):
            zrow[i, 0:16] = zv
            zrow[i, 16:32] = zv
            obuf[i, 0:16] = ov
            obuf[i, 16:32] = ov
            return 0
        lax.fori_loop(0, 128, fill, 0)

        def zinit(k, _):
            pltpu.sync_copy(zrow, sums_sh.at[pl.ds(sid * _VT + k * 128, 128)])
            return 0
        lax.fori_loop(0, _VT // 128, zinit, 0)
        plsc.subcore_barrier()

        def batch_body(bi, _):
            b = cid * 2 + bi
            pltpu.sync_copy(idx_h.at[b, sid], ibuf)
            pltpu.sync_copy(midx_h.at[b], mbuf)
            for ps in range(_NCS + 1):
                if ps == 0:
                    def scat(j, _):
                        pltpu.sync_copy(obuf, sums_sh.at[ibuf.at[j, 0]],
                                        add=True)
                        return 0
                else:
                    def scat(j, _, _f=feats[ps - 1]):
                        pltpu.sync_copy(
                            _f.at[b, pl.ds(sid * _PT + j * 128, 128), :],
                            fbuf)
                        pltpu.sync_copy(fbuf, sums_sh.at[ibuf.at[j, 0]],
                                        add=True)
                        return 0
                lax.fori_loop(0, _NJ, scat, 0)
                plsc.subcore_barrier()
                dst = pcnt_h if ps == 0 else psums[ps - 1]

                def gath(j, _, _d=dst):
                    pltpu.sync_copy(sums_sh.at[ibuf.at[j, 0]], fbuf)
                    pltpu.sync_copy(
                        fbuf,
                        _d.at[b, pl.ds(sid * _PT + j * 128, 128), :])
                    return 0
                lax.fori_loop(0, _NJ, gath, 0)
                @pl.when(sid == 0)
                def _():
                    pltpu.sync_copy(sums_sh.at[mbuf.at[0]], fbuf)
                    if ps == 0:
                        pltpu.sync_copy(fbuf, gcnt_h.at[b])
                    else:
                        pltpu.sync_copy(fbuf, gfea_h.at[b, ps - 1])
                plsc.subcore_barrier()

                def scrub(j, _):
                    pltpu.sync_copy(zrow, sums_sh.at[ibuf.at[j, 0]])
                    return 0
                lax.fori_loop(0, _NJ, scrub, 0)
                plsc.subcore_barrier()
            return 0
        lax.fori_loop(0, 2, batch_body, 0)

    return body(f0, f1, f2, f3, idxr, midx128)


_PB = 2048


def _aff_body(p0_ref, p1_ref, p2_ref, p3_ref, pc_ref,
              wa1_ref, ba1_ref, wa2_ref, ba2_ref, av_ref):
    inv = 1.0 / jnp.maximum(pc_ref[0, 0][:, 0:1], 1.0)
    acc = (p0_ref[0, 0] * inv) @ wa1_ref[0:32, :]
    acc += (p1_ref[0, 0] * inv) @ wa1_ref[32:64, :]
    acc += (p2_ref[0, 0] * inv) @ wa1_ref[64:96, :]
    acc += (p3_ref[0, 0] * inv) @ wa1_ref[96:128, :]
    t = jnp.maximum(acc + ba1_ref[0:1, :], 0.0)
    av = t @ wa2_ref[...] + ba2_ref[0, 0]
    av_ref[0, 0] = jnp.broadcast_to(av, (_PB, 16))


def _phase_c(psums, pcntw, Wa1, ba1, Wa2, ba2):
    nj = _N // _PB
    pspec = pl.BlockSpec((1, 1, _PB, _CS), lambda b, j: (b, j, 0, 0))
    return pl.pallas_call(
        _aff_body,
        grid=(_B, nj),
        in_specs=[
            pspec, pspec, pspec, pspec,
            pl.BlockSpec((1, 1, _PB, _CS), lambda b, j: (b, j, 0, 0)),
            pl.BlockSpec((_CD, _HID), lambda b, j: (0, 0)),
            pl.BlockSpec((1, _HID), lambda b, j: (0, 0)),
            pl.BlockSpec((_HID, 1), lambda b, j: (0, 0)),
            pl.BlockSpec((1, 1), lambda b, j: (0, 0)),
        ],
        out_specs=pl.BlockSpec((1, 1, _PB, 16), lambda b, j: (b, j, 0, 0)),
        out_shape=jax.ShapeDtypeStruct((_B, nj, _PB, 16), jnp.float32),
        interpret=_INTERPRET,
    )(*[p.reshape(_B, nj, _PB, _CS) for p in psums],
      pcntw.reshape(_B, nj, _PB, _CS),
      Wa1, ba1.reshape(1, _HID), Wa2, ba2.reshape(1, 1))


def _rot_body(gf_ref, gc_ref, wr1_ref, br1_ref, wr2_ref, br2_ref,
              ba1_ref, wa2_ref, ba2_ref, rot_ref, const_ref):
    cnt = jnp.maximum(gc_ref[:, 0:1], 1.0)
    gmean = gf_ref[...] / cnt
    t = jnp.maximum(gmean @ wr1_ref[...] + br1_ref[0:1, :], 0.0)
    rot_ref[...] = t @ wr2_ref[...] + br2_ref[0:1, :]
    cv = jnp.maximum(ba1_ref[0:1, :], 0.0) @ wa2_ref[...] + ba2_ref[0, 0]
    const_ref[...] = jnp.broadcast_to(cv, (8, 16))


def _phase_rot(gfea, gcnt, Wr1, br1, Wr2, br2, ba1, Wa2, ba2):
    return pl.pallas_call(
        _rot_body,
        out_shape=[
            jax.ShapeDtypeStruct((_B, _ROT), jnp.float32),
            jax.ShapeDtypeStruct((8, 16), jnp.float32),
        ],
        interpret=_INTERPRET,
    )(gfea, gcnt, Wr1, br1.reshape(1, _HID), Wr2, br2.reshape(1, _ROT),
      ba1.reshape(1, _HID), Wa2, ba2.reshape(1, 1))


def _phase_d(affw, idxr, const16):
    mesh = plsc.VectorSubcoreMesh(core_axis_name="c", subcore_axis_name="s",
                                  num_cores=2, num_subcores=16)

    @functools.partial(
        pl.kernel,
        out_type=jax.ShapeDtypeStruct((_B, _NV, 16), jnp.float32),
        mesh=mesh,
        compiler_params=pltpu.CompilerParams(),
        scratch_types=[
            pltpu.VMEM_SHARED((_NV, 16), jnp.float32),
            pltpu.VMEM((128, 16), jnp.float32),
            pltpu.VMEM((8, 16), jnp.float32),
            pltpu.VMEM((_NJ, 1, 128), jnp.int32),
            pltpu.VMEM((128, 16), jnp.float32),
        ],
        interpret=_INTERPRET,
    )
    def body(affw_h, idx_h, const_h, out_h, aff_sh, cbuf, cload, ibuf, vbuf):
        cid = lax.axis_index("c")
        sid = lax.axis_index("s")
        pltpu.sync_copy(const_h, cload)
        cv = cload[0]

        def fill(i, _):
            cbuf[i] = cv
            return 0
        lax.fori_loop(0, 128, fill, 0)

        def batch_body(bi, _):
            b = cid * 2 + bi

            def cfill(k, _):
                pltpu.sync_copy(cbuf,
                                aff_sh.at[pl.ds(sid * _VT + k * 128, 128)])
                return 0
            lax.fori_loop(0, _VT // 128, cfill, 0)
            plsc.subcore_barrier()
            pltpu.sync_copy(idx_h.at[b, sid], ibuf)

            def scat(j, _):
                pltpu.sync_copy(
                    affw_h.at[b, pl.ds(sid * _PT + j * 128, 128), :], vbuf)
                pltpu.sync_copy(vbuf, aff_sh.at[ibuf.at[j, 0]])
                return 0
            lax.fori_loop(0, _NJ, scat, 0)
            plsc.subcore_barrier()
            pltpu.sync_copy(aff_sh.at[pl.ds(sid * _VT, _VT)],
                            out_h.at[b, pl.ds(sid * _VT, _VT), :])
            plsc.subcore_barrier()
            return 0
        lax.fori_loop(0, 2, batch_body, 0)

    return body(affw, idxr, const16)




def _phase_b_xla(f0, f1, f2, f3, idxr, midx128):
    feat = jnp.concatenate([f0, f1, f2, f3], axis=-1)
    idx = idxr.reshape(_B, _N)
    midx = midx128[:, 0, 0]
    flat_idx = (idx + jnp.arange(_B)[:, None] * _NV).reshape(-1)
    sums = jax.ops.segment_sum(feat.reshape(-1, _CD), flat_idx,
                               num_segments=_B * _NV)
    cnts = jax.ops.segment_sum(jnp.ones((_B * _N,), jnp.float32), flat_idx,
                               num_segments=_B * _NV)
    ps = sums[flat_idx].reshape(_B, _N, _CD)
    pcnt32 = jnp.broadcast_to(cnts[flat_idx][:, None],
                              (_B * _N, _CS)).reshape(_B, _N, _CS)
    gflat = midx + jnp.arange(_B) * _NV
    gfea = jnp.broadcast_to(sums[gflat][:, None, :], (_B, 128, _CD))
    gfea4 = gfea.reshape(_B, 128, _NCS, _CS).transpose(0, 2, 1, 3)
    gcnt = jnp.broadcast_to(cnts[gflat][:, None, None], (_B, 128, _CS))
    return (ps[..., 0:32], ps[..., 32:64], ps[..., 64:96], ps[..., 96:128],
            pcnt32, gfea4, gcnt)


def _phase_d_xla(affw, idxr, const16):
    idx = idxr.reshape(_B, _N)
    aff = jnp.full((_B * _NV, 16), const16[0, 0], jnp.float32)
    flat_idx = (idx + jnp.arange(_B)[:, None] * _NV).reshape(-1)
    aff = aff.at[flat_idx].set(affw.reshape(_B * _N, 16))
    return aff.reshape(_B, _NV, 16)


def kernel(parent_start_pcd_sn, child_start_pcd_sn, W_pos, b_pos, W_c, b_c,
           Wa1, ba1, Wa2, ba2, Wr1, br1, Wr2, br2):
    pts = jnp.concatenate([parent_start_pcd_sn, child_start_pcd_sn], axis=1)
    f0, f1, f2, f3, idx3 = _phase_a(pts, W_pos, b_pos, W_c, b_c)
    midx128 = _phase_mean(child_start_pcd_sn)
    f0, f1, f2, f3 = (f.reshape(_B, _N, _CS) for f in (f0, f1, f2, f3))
    idxr = idx3.reshape(_B, 16, _NJ, 1, 128)

    p0, p1, p2, p3, pcntw, gfea4, gcnt3 = _phase_b_xla(f0, f1, f2, f3,
                                                       idxr, midx128)

    affw = _phase_c((p0, p1, p2, p3), pcntw, Wa1, ba1, Wa2, ba2)
    rot, const16 = _phase_rot(gfea4[:, :, 0, :].reshape(_B, _CD),
                              gcnt3[:, 0, :],
                              Wr1, br1, Wr2, br2, ba1, Wa2, ba2)

    affwide = _phase_d_xla(affw.reshape(_B, _N, 16), idxr, const16)
    return (affwide[:, :, 0], rot)

# --- scband reference (transcript-rebuilt; emitter-appended) ---
"""Pipeline reference for scband-coarse-affordance-voxel-rot-28200755265796 (READ-ONLY COPY).

The authoritative reference and input builder live on the scoring server;
editing this copy changes nothing except your own understanding.
"""

import jax, jax.numpy as jnp
import numpy as np

B = 4
NP = 8192
NC = 2048
CDIM = 128
HENC = 128
HID = 256
RESO = 32
ROT = 576
PAD = 0.1


def normalize_3d_coordinate(p, padding=PAD):
    p_nor = p / (1.0 + padding + 1e-3) + 0.5
    return jnp.clip(p_nor, 0.0, 1.0 - 1e-4)


def coordinate2index(xn, reso):
    xi = jnp.clip((xn * reso).astype(jnp.int32), 0, reso - 1)
    return xi[..., 0] + reso * (xi[..., 1] + reso * xi[..., 2])


def setup_inputs(seed: int = 0):
    key = jax.random.key(seed)
    ks = jax.random.split(key, 10)
    ppcd = jax.random.uniform(ks[0], (B, NP, 3), dtype=jnp.float32, minval=-0.5, maxval=0.5)
    cpcd = jax.random.uniform(ks[1], (B, NC, 3), dtype=jnp.float32, minval=-0.5, maxval=0.5)

    def lin(k, i, o):
        return jax.random.normal(k, (i, o), dtype=jnp.float32) * (1.0 / np.sqrt(i))

    return {
        'parent_start_pcd_sn': ppcd,
        'child_start_pcd_sn': cpcd,
        'W_pos': lin(ks[2], 5, HENC), 'b_pos': jnp.zeros((HENC,), jnp.float32),
        'W_c': lin(ks[3], HENC, CDIM), 'b_c': jnp.zeros((CDIM,), jnp.float32),
        'Wa1': lin(ks[4], CDIM, HID), 'ba1': jnp.zeros((HID,), jnp.float32),
        'Wa2': lin(ks[5], HID, 1), 'ba2': jnp.zeros((1,), jnp.float32),
        'Wr1': lin(ks[6], CDIM, HID), 'br1': jnp.zeros((HID,), jnp.float32),
        'Wr2': lin(ks[7], HID, ROT), 'br2': jnp.zeros((ROT,), jnp.float32),
    }


def reference(parent_start_pcd_sn, child_start_pcd_sn, W_pos, b_pos, W_c, b_c, Wa1, ba1, Wa2, ba2, Wr1, br1, Wr2, br2):
    ppcd = parent_start_pcd_sn
    cpcd = child_start_pcd_sn
    # append one-hot class channels (parent=[1,0], child=[0,1])
    oa = jnp.broadcast_to(jnp.array([1.0, 0.0], jnp.float32), (B, NP, 2))
    ob = jnp.broadcast_to(jnp.array([0.0, 1.0], jnp.float32), (B, NC, 2))
    p = jnp.concatenate([ppcd, oa], axis=-1)
    c = jnp.concatenate([cpcd, ob], axis=-1)
    pf = jnp.concatenate([p, c], axis=1)  # [B, NP+NC, 5]
    # LocalPoolPointnet: per-point MLP then scatter-mean into voxel grid
    h = jax.nn.relu(pf @ W_pos + b_pos)
    feat = h @ W_c + b_c  # [B, N, CDIM]
    idx = coordinate2index(normalize_3d_coordinate(pf[..., :3]), RESO)  # [B, N]
    NV = RESO ** 3
    flat_idx = (idx + jnp.arange(B)[:, None] * NV).reshape(-1)
    flat_feat = feat.reshape(-1, CDIM)
    sums = jax.ops.segment_sum(flat_feat, flat_idx, num_segments=B * NV)
    cnts = jax.ops.segment_sum(jnp.ones((flat_idx.shape[0],), jnp.float32), flat_idx, num_segments=B * NV)
    grid = (sums / jnp.maximum(cnts, 1.0)[:, None]).reshape(B, NV, CDIM)  # flat_fea_grid
    # voxel affordance head over every voxel
    aff = (jax.nn.relu(grid @ Wa1 + ba1) @ Wa2 + ba2).reshape(B, NV)
    # rot affordance: gather voxel feature at child-pcd mean raster index
    mean_idx = coordinate2index(normalize_3d_coordinate(jnp.mean(cpcd, axis=1)), RESO)  # [B]
    gfea = jnp.take_along_axis(grid, jnp.broadcast_to(mean_idx[:, None, None], (B, 1, CDIM)), axis=1).reshape(B, CDIM)
    rot = jax.nn.relu(gfea @ Wr1 + br1) @ Wr2 + br2  # [B, ROT]
    return (aff, rot)

if __name__ == "__main__":
    import jax
    _d = setup_inputs()
    print(jax.jit(kernel)(*tuple(_d.values())))

</pallas_src>

<mosaic_0001>
module attributes {stable_mosaic.version = 14 : i64} {
  func.func @_ptmlp_body(%arg0: i32, %arg1: i32, %arg2: memref<1x1x2048x3xf32, #tpu.memory_space<vmem>>, %arg3: memref<5x128xf32, #tpu.memory_space<vmem>>, %arg4: memref<1x128xf32, #tpu.memory_space<vmem>>, %arg5: memref<128x128xf32, #tpu.memory_space<vmem>>, %arg6: memref<1x128xf32, #tpu.memory_space<vmem>>, %arg7: memref<1x1x2048x32xf32, #tpu.memory_space<vmem>>, %arg8: memref<1x1x2048x32xf32, #tpu.memory_space<vmem>>, %arg9: memref<1x1x2048x32xf32, #tpu.memory_space<vmem>>, %arg10: memref<1x1x2048x32xf32, #tpu.memory_space<vmem>>, %arg11: memref<1x1x16x128xi32, #tpu.memory_space<vmem>>) attributes {dimension_semantics = [#tpu.dimension_semantics<arbitrary>, #tpu.dimension_semantics<arbitrary>], iteration_bounds = array<i64: 4, 5>, scalar_prefetch = 0 : i64, scratch_operands = 0 : i64, tpu.core_type = #tpu.core_type<tc>, window_params = [{transform_indices = @transform_0, window_bounds = array<i64: 1, 1, 2048, 3>}, {pipeline_mode = #tpu.pipeline_mode<synchronous>, transform_indices = @transform_1, window_bounds = array<i64: 5, 128>}, {pipeline_mode = #tpu.pipeline_mode<synchronous>, transform_indices = @transform_2, window_bounds = array<i64: 1, 128>}, {pipeline_mode = #tpu.pipeline_mode<synchronous>, transform_indices = @transform_3, window_bounds = array<i64: 128, 128>}, {pipeline_mode = #tpu.pipeline_mode<synchronous>, transform_indices = @transform_4, window_bounds = array<i64: 1, 128>}, {transform_indices = @transform_5, window_bounds = array<i64: 1, 1, 2048, 32>}, {transform_indices = @transform_6, window_bounds = array<i64: 1, 1, 2048, 32>}, {transform_indices = @transform_7, window_bounds = array<i64: 1, 1, 2048, 32>}, {transform_indices = @transform_8, window_bounds = array<i64: 1, 1, 2048, 32>}, {transform_indices = @transform_9, window_bounds = array<i64: 1, 1, 16, 128>}]} {
    %get3A = arith.constant 0 : index
    %get3A_0 = arith.constant 0 : index
    %get3A_1 = arith.constant 0 : index
    %get3A_2 = arith.constant 0 : index
    %get3A_3 = vector.load %arg2[%get3A, %get3A_0, %get3A_1, %get3A_2] : memref<1x1x2048x3xf32, #tpu.memory_space<vmem>>, vector<1x1x2048x3xf32>
    %get3A_4 = vector.shape_cast %get3A_3 : vector<1x1x2048x3xf32> to vector<2048x3xf32>
    %iota3A = tpu.iota {dimensions = array<i32: 0>} : vector<2048x1xi32>
    %mul3A = arith.constant 2048 : i32
    %mul3A_5 = arith.muli %arg1, %mul3A : i32
    %add3A = vector.broadcast %mul3A_5 : i32 to vector<2048x1xi32>
    %add3A_6 = arith.addi %iota3A, %add3A : vector<2048x1xi32>
    %lt3A = arith.constant 8192 : i32
    %lt3A_7 = vector.broadcast %lt3A : i32 to vector<2048x1xi32>
    %lt3A_8 = arith.cmpi slt, %add3A_6, %lt3A_7 : vector<2048x1xi32>
    %get3A_9 = arith.constant 3 : index
    %get3A_10 = arith.constant 0 : index
    %get3A_11 = vector.load %arg3[%get3A_9, %get3A_10] : memref<5x128xf32, #tpu.memory_space<vmem>>, vector<1x128xf32>
    %get3A_12 = arith.constant 4 : index
    %get3A_13 = arith.constant 0 : index
    %get3A_14 = vector.load %arg3[%get3A_12, %get3A_13] : memref<5x128xf32, #tpu.memory_space<vmem>>, vector<1x128xf32>
    %broadcast_in_dim3A = vector.shape_cast %lt3A_8 : vector<2048x1xi1> to vector<2048x1xi1>
    %broadcast_in_dim3A_15 = vector.broadcast %broadcast_in_dim3A : vector<2048x1xi1> to vector<2048x128xi1>
    %broadcast_in_dim3A_16 = vector.shape_cast %get3A_11 : vector<1x128xf32> to vector<1x128xf32>
    %broadcast_in_dim3A_17 = vector.broadcast %broadcast_in_dim3A_16 : vector<1x128xf32> to vector<2048x128xf32>
    %broadcast_in_dim3A_18 = vector.shape_cast %get3A_14 : vector<1x128xf32> to vector<1x128xf32>
    %broadcast_in_dim3A_19 = vector.broadcast %broadcast_in_dim3A_18 : vector<1x128xf32> to vector<2048x128xf32>
    %select_n3A = arith.select %broadcast_in_dim3A_15, %broadcast_in_dim3A_17, %broadcast_in_dim3A_19 : vector<2048x128xi1>, vector<2048x128xf32>
    %get3A_20 = arith.constant 0 : index
    %get3A_21 = arith.constant 0 : index
    %get3A_22 = vector.load %arg3[%get3A_20, %get3A_21] : memref<5x128xf32, #tpu.memory_space<vmem>>, vector<3x128xf32>
    %dot_general3A = arith.constant dense<0.000000e+00> : vector<2048x128xf32>
    %dot_general3A_23 = tpu.matmul %get3A_4, %get3A_22, %dot_general3A {dimension_numbers = #tpu.dot_dimension_numbers<[1], [0], [0], [1], [0, 0, 1, 1], [], []>, transpose_lhs_hint = false} : vector<2048x3xf32>, vector<3x128xf32>, vector<2048x128xf32> -> vector<2048x128xf32>
    %add3A_24 = arith.addf %dot_general3A_23, %select_n3A : vector<2048x128xf32>
    %get3A_25 = arith.constant 0 : index
    %get3A_26 = arith.constant 0 : index
    %get3A_27 = vector.load %arg4[%get3A_25, %get3A_26] : memref<1x128xf32, #tpu.memory_space<vmem>>, vector<1x128xf32>
    %add3A_28 = vector.broadcast %get3A_27 : vector<1x128xf32> to vector<2048x128xf32>
    %add3A_29 = arith.addf %add3A_24, %add3A_28 : vector<2048x128xf32>
    %max3A = arith.constant 0.000000e+00 : f32
    %max3A_30 = vector.broadcast %max3A : f32 to vector<2048x128xf32>
    %max3A_31 = arith.maximumf %add3A_29, %max3A_30 : vector<2048x128xf32>
    %get3A_32 = arith.constant 0 : index
    %get3A_33 = arith.constant 0 : index
    %get3A_34 = vector.load %arg5[%get3A_32, %get3A_33] : memref<128x128xf32, #tpu.memory_space<vmem>>, vector<128x128xf32>
    %dot_general3A_35 = arith.constant dense<0.000000e+00> : vector<2048x128xf32>
    %dot_general3A_36 = tpu.matmul %max3A_31, %get3A_34, %dot_general3A_35 {dimension_numbers = #tpu.dot_dimension_numbers<[1], [0], [0], [1], [0, 0, 1, 1], [], []>, transpose_lhs_hint = false} : vector<2048x128xf32>, vector<128x128xf32>, vector<2048x128xf32> -> vector<2048x128xf32>
    %get3A_37 = arith.constant 0 : index
    %get3A_38 = arith.constant 0 : index
    %get3A_39 = vector.load %arg6[%get3A_37, %get3A_38] : memref<1x128xf32, #tpu.memory_space<vmem>>, vector<1x128xf32>
    %add3A_40 = vector.broadcast %get3A_39 : vector<1x128xf32> to vector<2048x128xf32>
    %add3A_41 = arith.addf %dot_general3A_36, %add3A_40 : vector<2048x128xf32>
    %slice3A = vector.extract_strided_slice %add3A_41 {offsets = [0, 0], sizes = [2048, 32], strides = [1, 1]} : vector<2048x128xf32> to vector<2048x32xf32>
    %swap3A = arith.constant 0 : index
    %swap3A_42 = arith.constant 0 : index
    %swap3A_43 = arith.constant 0 : index
    %swap3A_44 = arith.constant 0 : index
    %swap3A_45 = vector.load %arg7[%swap3A, %swap3A_42, %swap3A_43, %swap3A_44] : memref<1x1x2048x32xf32, #tpu.memory_space<vmem>>, vector<1x1x2048x32xf32>
    %swap3A_46 = vector.shape_cast %swap3A_45 : vector<1x1x2048x32xf32> to vector<2048x32xf32>
    %swap3A_47 = vector.shape_cast %slice3A : vector<2048x32xf32> to vector<1x1x2048x32xf32>
    tpu.vector_store %arg7[%swap3A, %swap3A_42, %swap3A_43, %swap3A_44], %swap3A_47 {strides = array<i32>} : memref<1x1x2048x32xf32, #tpu.memory_space<vmem>>, vector<1x1x2048x32xf32>,
    %slice3A_48 = vector.extract_strided_slice %add3A_41 {offsets = [0, 32], sizes = [2048, 32], strides = [1, 1]} : vector<2048x128xf32> to vector<2048x32xf32>
    %swap3A_49 = arith.constant 0 : index
    %swap3A_50 = arith.constant 0 : index
    %swap3A_51 = arith.constant 0 : index
    %swap3A_52 = arith.constant 0 : index
    %swap3A_53 = vector.load %arg8[%swap3A_49, %swap3A_50, %swap3A_51, %swap3A_52] : memref<1x1x2048x32xf32, #tpu.memory_space<vmem>>, vector<1x1x2048x32xf32>
    %swap3A_54 = vector.shape_cast %swap3A_53 : vector<1x1x2048x32xf32> to vector<2048x32xf32>
    %swap3A_55 = vector.shape_cast %slice3A_48 : vector<2048x32xf32> to vector<1x1x2048x32xf32>
    tpu.vector_store %arg8[%swap3A_49, %swap3A_50, %swap3A_51, %swap3A_52], %swap3A_55 {strides = array<i32>} : memref<1x1x2048x32xf32, #tpu.memory_space<vmem>>, vector<1x1x2048x32xf32>,
    %slice3A_56 = vector.extract_strided_slice %add3A_41 {offsets = [0, 64], sizes = [2048, 32], strides = [1, 1]} : vector<2048x128xf32> to vector<2048x32xf32>
    %swap3A_57 = arith.constant 0 : index
    %swap3A_58 = arith.constant 0 : index
    %swap3A_59 = arith.constant 0 : index
    %swap3A_60 = arith.constant 0 : index
    %swap3A_61 = vector.load %arg9[%swap3A_57, %swap3A_58, %swap3A_59, %swap3A_60] : memref<1x1x2048x32xf32, #tpu.memory_space<vmem>>, vector<1x1x2048x32xf32>
    %swap3A_62 = vector.shape_cast %swap3A_61 : vector<1x1x2048x32xf32> to vector<2048x32xf32>
    %swap3A_63 = vector.shape_cast %slice3A_56 : vector<2048x32xf32> to vector<1x1x2048x32xf32>
    tpu.vector_store %arg9[%swap3A_57, %swap3A_58, %swap3A_59, %swap3A_60], %swap3A_63 {strides = array<i32>} : memref<1x1x2048x32xf32, #tpu.memory_space<vmem>>, vector<1x1x2048x32xf32>,
    %slice3A_64 = vector.extract_strided_slice %add3A_41 {offsets = [0, 96], sizes = [2048, 32], strides = [1, 1]} : vector<2048x128xf32> to vector<2048x32xf32>
    %swap3A_65 = arith.constant 0 : index
    %swap3A_66 = arith.constant 0 : index
    %swap3A_67 = arith.constant 0 : index
    %swap3A_68 = arith.constant 0 : index
    %swap3A_69 = vector.load %arg10[%swap3A_65, %swap3A_66, %swap3A_67, %swap3A_68] : memref<1x1x2048x32xf32, #tpu.memory_space<vmem>>, vector<1x1x2048x32xf32>
    %swap3A_70 = vector.shape_cast %swap3A_69 : vector<1x1x2048x32xf32> to vector<2048x32xf32>
    %swap3A_71 = vector.shape_cast %slice3A_64 : vector<2048x32xf32> to vector<1x1x2048x32xf32>
    tpu.vector_store %arg10[%swap3A_65, %swap3A_66, %swap3A_67, %swap3A_68], %swap3A_71 {strides = array<i32>} : memref<1x1x2048x32xf32, #tpu.memory_space<vmem>>, vector<1x1x2048x32xf32>,
    %mul3A_72 = arith.constant 0.908265233 : f32
    %mul3A_73 = vector.broadcast %mul3A_72 : f32 to vector<2048x3xf32>
    %mul3A_74 = arith.mulf %get3A_4, %mul3A_73 : vector<2048x3xf32>
    %add3A_75 = arith.constant 5.000000e-01 : f32
    %add3A_76 = vector.broadcast %add3A_75 : f32 to vector<2048x3xf32>
    %add3A_77 = arith.addf %mul3A_74, %add3A_76 : vector<2048x3xf32>
    %jit3A = arith.constant 0.000000e+00 : f32
    %jit3A_78 = arith.constant 0.999899983 : f32
    %max3A_79 = vector.broadcast %jit3A : f32 to vector<2048x3xf32>
    %max3A_80 = arith.maximumf %max3A_79, %add3A_77 : vector<2048x3xf32>
    %min3A = vector.broadcast %jit3A_78 : f32 to vector<2048x3xf32>
    %min3A_81 = arith.minimumf %min3A, %max3A_80 : vector<2048x3xf32>
    %mul3A_82 = arith.constant 3.200000e+01 : f32
    %mul3A_83 = vector.broadcast %mul3A_82 : f32 to vector<2048x3xf32>
    %mul3A_84 = arith.mulf %min3A_81, %mul3A_83 : vector<2048x3xf32>
    %convert_element_type3A = arith.fptosi %mul3A_84 : vector<2048x3xf32> to vector<2048x3xi32>
    %jit3A_85 = arith.constant 0 : i32
    %jit3A_86 = arith.constant 31 : i32
    %max3A_87 = vector.broadcast %jit3A_85 : i32 to vector<2048x3xi32>
    %max3A_88 = arith.maxsi %max3A_87, %convert_element_type3A : vector<2048x3xi32>
    %min3A_89 = vector.broadcast %jit3A_86 : i32 to vector<2048x3xi32>
    %min3A_90 = arith.minsi %min3A_89, %max3A_88 : vector<2048x3xi32>
    %slice3A_91 = vector.extract_strided_slice %min3A_90 {offsets = [0, 0], sizes = [2048, 1], strides = [1, 1]} : vector<2048x3xi32> to vector<2048x1xi32>
    %squeeze3A = vector.shape_cast %slice3A_91 : vector<2048x1xi32> to vector<2048xi32>
    %slice3A_92 = vector.extract_strided_slice %min3A_90 {offsets = [0, 1], sizes = [2048, 1], strides = [1, 1]} : vector<2048x3xi32> to vector<2048x1xi32>
    %squeeze3A_93 = vector.shape_cast %slice3A_92 : vector<2048x1xi32> to vector<2048xi32>
    %slice3A_94 = vector.extract_strided_slice %min3A_90 {offsets = [0, 2], sizes = [2048, 1], strides = [1, 1]} : vector<2048x3xi32> to vector<2048x1xi32>
    %squeeze3A_95 = vector.shape_cast %slice3A_94 : vector<2048x1xi32> to vector<2048xi32>
    %mul3A_96 = arith.constant 32 : i32
    %mul3A_97 = vector.broadcast %mul3A_96 : i32 to vector<2048xi32>
    %mul3A_98 = arith.muli %mul3A_97, %squeeze3A_95 : vector<2048xi32>
    %add3A_99 = arith.addi %squeeze3A_93, %mul3A_98 : vector<2048xi32>
    %mul3A_100 = arith.constant 32 : i32
    %mul3A_101 = vector.broadcast %mul3A_100 : i32 to vector<2048xi32>
    %mul3A_102 = arith.muli %mul3A_101, %add3A_99 : vector<2048xi32>
    %add3A_103 = arith.addi %squeeze3A, %mul3A_102 : vector<2048xi32>
    %reshape3A = vector.shape_cast %add3A_103 : vector<2048xi32> to vector<16x128xi32>
    %swap3A_104 = arith.constant 0 : index
    %swap3A_105 = arith.constant 0 : index
    %swap3A_106 = arith.constant 0 : index
    %swap3A_107 = arith.constant 0 : index
    %swap3A_108 = vector.load %arg11[%swap3A_104, %swap3A_105, %swap3A_106, %swap3A_107] : memref<1x1x16x128xi32, #tpu.memory_space<vmem>>, vector<1x1x16x128xi32>
    %swap3A_109 = vector.shape_cast %swap3A_108 : vector<1x1x16x128xi32> to vector<16x128xi32>
    %swap3A_110 = vector.shape_cast %reshape3A : vector<16x128xi32> to vector<1x1x16x128xi32>
    tpu.vector_store %arg11[%swap3A_104, %swap3A_105, %swap3A_106, %swap3A_107], %swap3A_110 {strides = array<i32>} : memref<1x1x16x128xi32, #tpu.memory_space<vmem>>, vector<1x1x16x128xi32>,
    return
  }
  func.func @transform_0(%arg0: i32, %arg1: i32) -> (i32, i32, i32, i32) {
    %c0_i32 = arith.constant 0 : i32
    %c0_i32_0 = arith.constant 0 : i32
    %c0_i32_1 = arith.constant 0 : i32
    return %arg0, %arg1, %c0_i32, %c0_i32_0 : i32, i32, i32, i32
  }
  func.func @transform_1(%arg0: i32, %arg1: i32) -> (i32, i32) {
    %c0_i32 = arith.constant 0 : i32
    %c0_i32_0 = arith.constant 0 : i32
    %c0_i32_1 = arith.constant 0 : i32
    return %c0_i32, %c0_i32_0 : i32, i32
  }
  func.func @transform_2(%arg0: i32, %arg1: i32) -> (i32, i32) {
    %c0_i32 = arith.constant 0 : i32
    %c0_i32_0 = arith.constant 0 : i32
    %c0_i32_1 = arith.constant 0 : i32
    return %c0_i32, %c0_i32_0 : i32, i32
  }
  func.func @transform_3(%arg0: i32, %arg1: i32) -> (i32, i32) {
    %c0_i32 = arith.constant 0 : i32
    %c0_i32_0 = arith.constant 0 : i32
    %c0_i32_1 = arith.constant 0 : i32
    return %c0_i32, %c0_i32_0 : i32, i32
  }
  func.func @transform_4(%arg0: i32, %arg1: i32) -> (i32, i32) {
    %c0_i32 = arith.constant 0 : i32
    %c0_i32_0 = arith.constant 0 : i32
    %c0_i32_1 = arith.constant 0 : i32
    return %c0_i32, %c0_i32_0 : i32, i32
  }
  func.func @transform_5(%arg0: i32, %arg1: i32) -> (i32, i32, i32, i32) {
    %c0_i32 = arith.constant 0 : i32
    %c0_i32_0 = arith.constant 0 : i32
    %c0_i32_1 = arith.constant 0 : i32
    return %arg0, %arg1, %c0_i32, %c0_i32_0 : i32, i32, i32, i32
  }
  func.func @transform_6(%arg0: i32, %arg1: i32) -> (i32, i32, i32, i32) {
    %c0_i32 = arith.constant 0 : i32
    %c0_i32_0 = arith.constant 0 : i32
    %c0_i32_1 = arith.constant 0 : i32
    return %arg0, %arg1, %c0_i32, %c0_i32_0 : i32, i32, i32, i32
  }
  func.func @transform_7(%arg0: i32, %arg1: i32) -> (i32, i32, i32, i32) {
    %c0_i32 = arith.constant 0 : i32
    %c0_i32_0 = arith.constant 0 : i32
    %c0_i32_1 = arith.constant 0 : i32
    return %arg0, %arg1, %c0_i32, %c0_i32_0 : i32, i32, i32, i32
  }
  func.func @transform_8(%arg0: i32, %arg1: i32) -> (i32, i32, i32, i32) {
    %c0_i32 = arith.constant 0 : i32
    %c0_i32_0 = arith.constant 0 : i32
    %c0_i32_1 = arith.constant 0 : i32
    return %arg0, %arg1, %c0_i32, %c0_i32_0 : i32, i32, i32, i32
  }
  func.func @transform_9(%arg0: i32, %arg1: i32) -> (i32, i32, i32, i32) {
    %c0_i32 = arith.constant 0 : i32
    %c0_i32_0 = arith.constant 0 : i32
    %c0_i32_1 = arith.constant 0 : i32
    return %arg0, %arg1, %c0_i32, %c0_i32_0 : i32, i32, i32, i32
  }
}

module attributes {stable_mosaic.version = 14 : i64} {
  func.func @_mean_body(%arg0: i32, %arg1: memref<1x2048x3xf32, #tpu.memory_space<vmem>>, %arg2: memref<1x1x128xi32, #tpu.memory_space<vmem>>) attributes {dimension_semantics = [#tpu.dimension_semantics<arbitrary>], iteration_bounds = array<i64: 4>, scalar_prefetch = 0 : i64, scratch_operands = 0 : i64, tpu.core_type = #tpu.core_type<tc>, window_params = [{transform_indices = @transform_0, window_bounds = array<i64: 1, 2048, 3>}, {transform_indices = @transform_1, window_bounds = array<i64: 1, 1, 128>}]} {
    %get3A = arith.constant 0 : index
    %get3A_0 = arith.constant 0 : index
    %get3A_1 = arith.constant 0 : index
    %get3A_2 = vector.load %arg1[%get3A, %get3A_0, %get3A_1] : memref<1x2048x3xf32, #tpu.memory_space<vmem>>, vector<1x2048x3xf32>
    %get3A_3 = vector.shape_cast %get3A_2 : vector<1x2048x3xf32> to vector<2048x3xf32>
    %reduce_sum3A = arith.constant dense<0.000000e+00> : vector<3xf32>
    %reduce_sum3A_4 = vector.multi_reduction <add>, %get3A_3, %reduce_sum3A [0] : vector<2048x3xf32> to vector<3xf32>
    %div3A = arith.constant 2.048000e+03 : f32
    %div3A_5 = vector.broadcast %div3A : f32 to vector<3xf32>
    %div3A_6 = arith.divf %reduce_sum3A_4, %div3A_5 : vector<3xf32>
    %mul3A = arith.constant 0.908265233 : f32
    %mul3A_7 = vector.broadcast %mul3A : f32 to vector<3xf32>
    %mul3A_8 = arith.mulf %div3A_6, %mul3A_7 : vector<3xf32>
    %add3A = arith.constant 5.000000e-01 : f32
    %add3A_9 = vector.broadcast %add3A : f32 to vector<3xf32>
    %add3A_10 = arith.addf %mul3A_8, %add3A_9 : vector<3xf32>
    %jit3A = arith.constant 0.000000e+00 : f32
    %jit3A_11 = arith.constant 0.999899983 : f32
    %max3A = vector.broadcast %jit3A : f32 to vector<3xf32>
    %max3A_12 = arith.maximumf %max3A, %add3A_10 : vector<3xf32>
    %min3A = vector.broadcast %jit3A_11 : f32 to vector<3xf32>
    %min3A_13 = arith.minimumf %min3A, %max3A_12 : vector<3xf32>
    %mul3A_14 = arith.constant 3.200000e+01 : f32
    %mul3A_15 = vector.broadcast %mul3A_14 : f32 to vector<3xf32>
    %mul3A_16 = arith.mulf %min3A_13, %mul3A_15 : vector<3xf32>
    %convert_element_type3A = arith.fptosi %mul3A_16 : vector<3xf32> to vector<3xi32>
    %jit3A_17 = arith.constant 0 : i32
    %jit3A_18 = arith.constant 31 : i32
    %max3A_19 = vector.broadcast %jit3A_17 : i32 to vector<3xi32>
    %max3A_20 = arith.maxsi %max3A_19, %convert_element_type3A : vector<3xi32>
    %min3A_21 = vector.broadcast %jit3A_18 : i32 to vector<3xi32>
    %min3A_22 = arith.minsi %min3A_21, %max3A_20 : vector<3xi32>
    %slice3A = vector.extract_strided_slice %min3A_22 {offsets = [0], sizes = [1], strides = [1]} : vector<3xi32> to vector<1xi32>
    %squeeze3A = vector.extract %slice3A[0] : i32 from vector<1xi32>
    %slice3A_23 = vector.extract_strided_slice %min3A_22 {offsets = [1], sizes = [1], strides = [1]} : vector<3xi32> to vector<1xi32>
    %squeeze3A_24 = vector.extract %slice3A_23[0] : i32 from vector<1xi32>
    %slice3A_25 = vector.extract_strided_slice %min3A_22 {offsets = [2], sizes = [1], strides = [1]} : vector<3xi32> to vector<1xi32>
    %squeeze3A_26 = vector.extract %slice3A_25[0] : i32 from vector<1xi32>
    %mul3A_27 = arith.constant 32 : i32
    %mul3A_28 = arith.muli %mul3A_27, %squeeze3A_26 : i32
    %add3A_29 = arith.addi %squeeze3A_24, %mul3A_28 : i32
    %mul3A_30 = arith.constant 32 : i32
    %mul3A_31 = arith.muli %mul3A_30, %add3A_29 : i32
    %add3A_32 = arith.addi %squeeze3A, %mul3A_31 : i32
    %broadcast_in_dim3A = vector.broadcast %add3A_32 : i32 to vector<128xi32>
    %swap3A = arith.constant 0 : index
    %swap3A_33 = arith.constant 0 : index
    %swap3A_34 = arith.constant 0 : index
    %swap3A_35 = vector.load %arg2[%swap3A, %swap3A_33, %swap3A_34] : memref<1x1x128xi32, #tpu.memory_space<vmem>>, vector<1x1x128xi32>
    %swap3A_36 = vector.shape_cast %swap3A_35 : vector<1x1x128xi32> to vector<128xi32>
    %swap3A_37 = vector.shape_cast %broadcast_in_dim3A : vector<128xi32> to vector<1x1x128xi32>
    tpu.vector_store %arg2[%swap3A, %swap3A_33, %swap3A_34], %swap3A_37 {strides = array<i32>} : memref<1x1x128xi32, #tpu.memory_space<vmem>>, vector<1x1x128xi32>,
    return
  }
  func.func @transform_0(%arg0: i32) -> (i32, i32, i32) {
    %c0_i32 = arith.constant 0 : i32
    %c0_i32_0 = arith.constant 0 : i32
    %c0_i32_1 = arith.constant 0 : i32
    return %arg0, %c0_i32, %c0_i32_0 : i32, i32, i32
  }
  func.func @transform_1(%arg0: i32) -> (i32, i32, i32) {
    %c0_i32 = arith.constant 0 : i32
    %c0_i32_0 = arith.constant 0 : i32
    %c0_i32_1 = arith.constant 0 : i32
    return %arg0, %c0_i32, %c0_i32_0 : i32, i32, i32
  }
}

module attributes {stable_mosaic.version = 14 : i64} {
  func.func @_rot_body(%arg0: memref<4x128xf32, #tpu.memory_space<vmem>>, %arg1: memref<4x32xf32, #tpu.memory_space<vmem>>, %arg2: memref<128x256xf32, #tpu.memory_space<vmem>>, %arg3: memref<1x256xf32, #tpu.memory_space<vmem>>, %arg4: memref<256x576xf32, #tpu.memory_space<vmem>>, %arg5: memref<1x576xf32, #tpu.memory_space<vmem>>, %arg6: memref<1x256xf32, #tpu.memory_space<vmem>>, %arg7: memref<256x1xf32, #tpu.memory_space<vmem>>, %arg8: memref<1x1xf32, #tpu.memory_space<vmem>>, %arg9: memref<4x576xf32, #tpu.memory_space<vmem>>, %arg10: memref<8x16xf32, #tpu.memory_space<vmem>>) attributes {dimension_semantics = [], scalar_prefetch = 0 : i64, scratch_operands = 0 : i64, tpu.core_type = #tpu.core_type<tc>} {
    %get3A = arith.constant 0 : index
    %get3A_0 = arith.constant 0 : index
    %get3A_1 = vector.load %arg1[%get3A, %get3A_0] : memref<4x32xf32, #tpu.memory_space<vmem>>, vector<4x1xf32>
    %max3A = arith.constant 1.000000e+00 : f32
    %max3A_2 = vector.broadcast %max3A : f32 to vector<4x1xf32>
    %max3A_3 = arith.maximumf %get3A_1, %max3A_2 : vector<4x1xf32>
    %get3A_4 = arith.constant 0 : index
    %get3A_5 = arith.constant 0 : index
    %get3A_6 = vector.load %arg0[%get3A_4, %get3A_5] : memref<4x128xf32, #tpu.memory_space<vmem>>, vector<4x128xf32>
    %div3A = vector.broadcast %max3A_3 : vector<4x1xf32> to vector<4x128xf32>
    %div3A_7 = arith.divf %get3A_6, %div3A : vector<4x128xf32>
    %get3A_8 = arith.constant 0 : index
    %get3A_9 = arith.constant 0 : index
    %get3A_10 = vector.load %arg2[%get3A_8, %get3A_9] : memref<128x256xf32, #tpu.memory_space<vmem>>, vector<128x256xf32>
    %dot_general3A = arith.constant dense<0.000000e+00> : vector<4x256xf32>
    %dot_general3A_11 = tpu.matmul %div3A_7, %get3A_10, %dot_general3A {dimension_numbers = #tpu.dot_dimension_numbers<[1], [0], [0], [1], [0, 0, 1, 1], [], []>, transpose_lhs_hint = false} : vector<4x128xf32>, vector<128x256xf32>, vector<4x256xf32> -> vector<4x256xf32>
    %get3A_12 = arith.constant 0 : index
    %get3A_13 = arith.constant 0 : index
    %get3A_14 = vector.load %arg3[%get3A_12, %get3A_13] : memref<1x256xf32, #tpu.memory_space<vmem>>, vector<1x256xf32>
    %add3A = vector.broadcast %get3A_14 : vector<1x256xf32> to vector<4x256xf32>
    %add3A_15 = arith.addf %dot_general3A_11, %add3A : vector<4x256xf32>
    %max3A_16 = arith.constant 0.000000e+00 : f32
    %max3A_17 = vector.broadcast %max3A_16 : f32 to vector<4x256xf32>
    %max3A_18 = arith.maximumf %add3A_15, %max3A_17 : vector<4x256xf32>
    %get3A_19 = arith.constant 0 : index
    %get3A_20 = arith.constant 0 : index
    %get3A_21 = vector.load %arg4[%get3A_19, %get3A_20] : memref<256x576xf32, #tpu.memory_space<vmem>>, vector<256x576xf32>
    %dot_general3A_22 = arith.constant dense<0.000000e+00> : vector<4x576xf32>
    %dot_general3A_23 = tpu.matmul %max3A_18, %get3A_21, %dot_general3A_22 {dimension_numbers = #tpu.dot_dimension_numbers<[1], [0], [0], [1], [0, 0, 1, 1], [], []>, transpose_lhs_hint = false} : vector<4x256xf32>, vector<256x576xf32>, vector<4x576xf32> -> vector<4x576xf32>
    %get3A_24 = arith.constant 0 : index
    %get3A_25 = arith.constant 0 : index
    %get3A_26 = vector.load %arg5[%get3A_24, %get3A_25] : memref<1x576xf32, #tpu.memory_space<vmem>>, vector<1x576xf32>
    %add3A_27 = vector.broadcast %get3A_26 : vector<1x576xf32> to vector<4x576xf32>
    %add3A_28 = arith.addf %dot_general3A_23, %add3A_27 : vector<4x576xf32>
    %swap3A = arith.constant 0 : index
    %swap3A_29 = arith.constant 0 : index
    %swap3A_30 = vector.load %arg9[%swap3A, %swap3A_29] : memref<4x576xf32, #tpu.memory_space<vmem>>, vector<4x576xf32>
    tpu.vector_store %arg9[%swap3A, %swap3A_29], %add3A_28 {strides = array<i32>} : memref<4x576xf32, #tpu.memory_space<vmem>>, vector<4x576xf32>,
    %get3A_31 = arith.constant 0 : index
    %get3A_32 = arith.constant 0 : index
    %get3A_33 = vector.load %arg6[%get3A_31, %get3A_32] : memref<1x256xf32, #tpu.memory_space<vmem>>, vector<1x256xf32>
    %max3A_34 = arith.constant 0.000000e+00 : f32
    %max3A_35 = vector.broadcast %max3A_34 : f32 to vector<1x256xf32>
    %max3A_36 = arith.maximumf %get3A_33, %max3A_35 : vector<1x256xf32>
    %get3A_37 = arith.constant 0 : index
    %get3A_38 = arith.constant 0 : index
    %get3A_39 = vector.load %arg7[%get3A_37, %get3A_38] : memref<256x1xf32, #tpu.memory_space<vmem>>, vector<256x1xf32>
    %dot_general3A_40 = arith.constant dense<0.000000e+00> : vector<1x1xf32>
    %dot_general3A_41 = tpu.matmul %max3A_36, %get3A_39, %dot_general3A_40 {dimension_numbers = #tpu.dot_dimension_numbers<[1], [0], [0], [1], [0, 0, 1, 1], [], []>, transpose_lhs_hint = false} : vector<1x256xf32>, vector<256x1xf32>, vector<1x1xf32> -> vector<1x1xf32>
    %get3A_42 = arith.constant 0 : index
    %get3A_43 = arith.constant 0 : index
    %get3A_44 = vector.load %arg8[%get3A_42, %get3A_43] : memref<1x1xf32, #tpu.memory_space<vmem>>, vector<1x1xf32>
    %get3A_45 = vector.extract %get3A_44[0, 0] : f32 from vector<1x1xf32>
    %add3A_46 = vector.broadcast %get3A_45 : f32 to vector<1x1xf32>
    %add3A_47 = arith.addf %dot_general3A_41, %add3A_46 : vector<1x1xf32>
    %broadcast_in_dim3A = vector.shape_cast %add3A_47 : vector<1x1xf32> to vector<1x1xf32>
    %broadcast_in_dim3A_48 = vector.broadcast %broadcast_in_dim3A : vector<1x1xf32> to vector<8x16xf32>
    %swap3A_49 = arith.constant 0 : index
    %swap3A_50 = arith.constant 0 : index
    %swap3A_51 = vector.load %arg10[%swap3A_49, %swap3A_50] : memref<8x16xf32, #tpu.memory_space<vmem>>, vector<8x16xf32>
    tpu.vector_store %arg10[%swap3A_49, %swap3A_50], %broadcast_in_dim3A_48 {strides = array<i32>} : memref<8x16xf32, #tpu.memory_space<vmem>>, vector<8x16xf32>,
    return
  }
}

module attributes {stable_mosaic.version = 14 : i64} {
  func.func @_aff_body(%arg0: i32, %arg1: i32, %arg2: memref<1x1x2048x32xf32, #tpu.memory_space<vmem>>, %arg3: memref<1x1x2048x32xf32, #tpu.memory_space<vmem>>, %arg4: memref<1x1x2048x32xf32, #tpu.memory_space<vmem>>, %arg5: memref<1x1x2048x32xf32, #tpu.memory_space<vmem>>, %arg6: memref<1x1x2048x32xf32, #tpu.memory_space<vmem>>, %arg7: memref<128x256xf32, #tpu.memory_space<vmem>>, %arg8: memref<1x256xf32, #tpu.memory_space<vmem>>, %arg9: memref<256x1xf32, #tpu.memory_space<vmem>>, %arg10: memref<1x1xf32, #tpu.memory_space<vmem>>, %arg11: memref<1x1x2048x16xf32, #tpu.memory_space<vmem>>) attributes {dimension_semantics = [#tpu.dimension_semantics<arbitrary>, #tpu.dimension_semantics<arbitrary>], iteration_bounds = array<i64: 4, 5>, scalar_prefetch = 0 : i64, scratch_operands = 0 : i64, tpu.core_type = #tpu.core_type<tc>, window_params = [{transform_indices = @transform_0, window_bounds = array<i64: 1, 1, 2048, 32>}, {transform_indices = @transform_1, window_bounds = array<i64: 1, 1, 2048, 32>}, {transform_indices = @transform_2, window_bounds = array<i64: 1, 1, 2048, 32>}, {transform_indices = @transform_3, window_bounds = array<i64: 1, 1, 2048, 32>}, {transform_indices = @transform_4, window_bounds = array<i64: 1, 1, 2048, 32>}, {pipeline_mode = #tpu.pipeline_mode<synchronous>, transform_indices = @transform_5, window_bounds = array<i64: 128, 256>}, {pipeline_mode = #tpu.pipeline_mode<synchronous>, transform_indices = @transform_6, window_bounds = array<i64: 1, 256>}, {pipeline_mode = #tpu.pipeline_mode<synchronous>, transform_indices = @transform_7, window_bounds = array<i64: 256, 1>}, {pipeline_mode = #tpu.pipeline_mode<synchronous>, transform_indices = @transform_8, window_bounds = array<i64: 1, 1>}, {transform_indices = @transform_9, window_bounds = array<i64: 1, 1, 2048, 16>}]} {
    %get3A = arith.constant 0 : index
    %get3A_0 = arith.constant 0 : index
    %get3A_1 = arith.constant 0 : index
    %get3A_2 = arith.constant 0 : index
    %get3A_3 = vector.load %arg6[%get3A, %get3A_0, %get3A_1, %get3A_2] : memref<1x1x2048x32xf32, #tpu.memory_space<vmem>>, vector<1x1x2048x32xf32>
    %get3A_4 = vector.shape_cast %get3A_3 : vector<1x1x2048x32xf32> to vector<2048x32xf32>
    %slice3A = vector.extract_strided_slice %get3A_4 {offsets = [0, 0], sizes = [2048, 1], strides = [1, 1]} : vector<2048x32xf32> to vector<2048x1xf32>
    %max3A = arith.constant 1.000000e+00 : f32
    %max3A_5 = vector.broadcast %max3A : f32 to vector<2048x1xf32>
    %max3A_6 = arith.maximumf %slice3A, %max3A_5 : vector<2048x1xf32>
    %div3A = arith.constant 1.000000e+00 : f32
    %div3A_7 = vector.broadcast %div3A : f32 to vector<2048x1xf32>
    %div3A_8 = arith.divf %div3A_7, %max3A_6 : vector<2048x1xf32>
    %get3A_9 = arith.constant 0 : index
    %get3A_10 = arith.constant 0 : index
    %get3A_11 = arith.constant 0 : index
    %get3A_12 = arith.constant 0 : index
    %get3A_13 = vector.load %arg2[%get3A_9, %get3A_10, %get3A_11, %get3A_12] : memref<1x1x2048x32xf32, #tpu.memory_space<vmem>>, vector<1x1x2048x32xf32>
    %get3A_14 = vector.shape_cast %get3A_13 : vector<1x1x2048x32xf32> to vector<2048x32xf32>
    %mul3A = vector.broadcast %div3A_8 : vector<2048x1xf32> to vector<2048x32xf32>
    %mul3A_15 = arith.mulf %get3A_14, %mul3A : vector<2048x32xf32>
    %get3A_16 = arith.constant 0 : index
    %get3A_17 = arith.constant 0 : index
    %get3A_18 = vector.load %arg7[%get3A_16, %get3A_17] : memref<128x256xf32, #tpu.memory_space<vmem>>, vector<32x256xf32>
    %dot_general3A = arith.constant dense<0.000000e+00> : vector<2048x256xf32>
    %dot_general3A_19 = tpu.matmul %mul3A_15, %get3A_18, %dot_general3A {dimension_numbers = #tpu.dot_dimension_numbers<[1], [0], [0], [1], [0, 0, 1, 1], [], []>, transpose_lhs_hint = false} : vector<2048x32xf32>, vector<32x256xf32>, vector<2048x256xf32> -> vector<2048x256xf32>
    %get3A_20 = arith.constant 0 : index
    %get3A_21 = arith.constant 0 : index
    %get3A_22 = arith.constant 0 : index
    %get3A_23 = arith.constant 0 : index
    %get3A_24 = vector.load %arg3[%get3A_20, %get3A_21, %get3A_22, %get3A_23] : memref<1x1x2048x32xf32, #tpu.memory_space<vmem>>, vector<1x1x2048x32xf32>
    %get3A_25 = vector.shape_cast %get3A_24 : vector<1x1x2048x32xf32> to vector<2048x32xf32>
    %mul3A_26 = vector.broadcast %div3A_8 : vector<2048x1xf32> to vector<2048x32xf32>
    %mul3A_27 = arith.mulf %get3A_25, %mul3A_26 : vector<2048x32xf32>
    %get3A_28 = arith.constant 32 : index
    %get3A_29 = arith.constant 0 : index
    %get3A_30 = vector.load %arg7[%get3A_28, %get3A_29] : memref<128x256xf32, #tpu.memory_space<vmem>>, vector<32x256xf32>
    %dot_general3A_31 = arith.constant dense<0.000000e+00> : vector<2048x256xf32>
    %dot_general3A_32 = tpu.matmul %mul3A_27, %get3A_30, %dot_general3A_31 {dimension_numbers = #tpu.dot_dimension_numbers<[1], [0], [0], [1], [0, 0, 1, 1], [], []>, transpose_lhs_hint = false} : vector<2048x32xf32>, vector<32x256xf32>, vector<2048x256xf32> -> vector<2048x256xf32>
    %add3A = arith.addf %dot_general3A_19, %dot_general3A_32 : vector<2048x256xf32>
    %get3A_33 = arith.constant 0 : index
    %get3A_34 = arith.constant 0 : index
    %get3A_35 = arith.constant 0 : index
    %get3A_36 = arith.constant 0 : index
    %get3A_37 = vector.load %arg4[%get3A_33, %get3A_34, %get3A_35, %get3A_36] : memref<1x1x2048x32xf32, #tpu.memory_space<vmem>>, vector<1x1x2048x32xf32>
    %get3A_38 = vector.shape_cast %get3A_37 : vector<1x1x2048x32xf32> to vector<2048x32xf32>
    %mul3A_39 = vector.broadcast %div3A_8 : vector<2048x1xf32> to vector<2048x32xf32>
    %mul3A_40 = arith.mulf %get3A_38, %mul3A_39 : vector<2048x32xf32>
    %get3A_41 = arith.constant 64 : index
    %get3A_42 = arith.constant 0 : index
    %get3A_43 = vector.load %arg7[%get3A_41, %get3A_42] : memref<128x256xf32, #tpu.memory_space<vmem>>, vector<32x256xf32>
    %dot_general3A_44 = arith.constant dense<0.000000e+00> : vector<2048x256xf32>
    %dot_general3A_45 = tpu.matmul %mul3A_40, %get3A_43, %dot_general3A_44 {dimension_numbers = #tpu.dot_dimension_numbers<[1], [0], [0], [1], [0, 0, 1, 1], [], []>, transpose_lhs_hint = false} : vector<2048x32xf32>, vector<32x256xf32>, vector<2048x256xf32> -> vector<2048x256xf32>
    %add3A_46 = arith.addf %add3A, %dot_general3A_45 : vector<2048x256xf32>
    %get3A_47 = arith.constant 0 : index
    %get3A_48 = arith.constant 0 : index
    %get3A_49 = arith.constant 0 : index
    %get3A_50 = arith.constant 0 : index
    %get3A_51 = vector.load %arg5[%get3A_47, %get3A_48, %get3A_49, %get3A_50] : memref<1x1x2048x32xf32, #tpu.memory_space<vmem>>, vector<1x1x2048x32xf32>
    %get3A_52 = vector.shape_cast %get3A_51 : vector<1x1x2048x32xf32> to vector<2048x32xf32>
    %mul3A_53 = vector.broadcast %div3A_8 : vector<2048x1xf32> to vector<2048x32xf32>
    %mul3A_54 = arith.mulf %get3A_52, %mul3A_53 : vector<2048x32xf32>
    %get3A_55 = arith.constant 96 : index
    %get3A_56 = arith.constant 0 : index
    %get3A_57 = vector.load %arg7[%get3A_55, %get3A_56] : memref<128x256xf32, #tpu.memory_space<vmem>>, vector<32x256xf32>
    %dot_general3A_58 = arith.constant dense<0.000000e+00> : vector<2048x256xf32>
    %dot_general3A_59 = tpu.matmul %mul3A_54, %get3A_57, %dot_general3A_58 {dimension_numbers = #tpu.dot_dimension_numbers<[1], [0], [0], [1], [0, 0, 1, 1], [], []>, transpose_lhs_hint = false} : vector<2048x32xf32>, vector<32x256xf32>, vector<2048x256xf32> -> vector<2048x256xf32>
    %add3A_60 = arith.addf %add3A_46, %dot_general3A_59 : vector<2048x256xf32>
    %get3A_61 = arith.constant 0 : index
    %get3A_62 = arith.constant 0 : index
    %get3A_63 = vector.load %arg8[%get3A_61, %get3A_62] : memref<1x256xf32, #tpu.memory_space<vmem>>, vector<1x256xf32>
    %add3A_64 = vector.broadcast %get3A_63 : vector<1x256xf32> to vector<2048x256xf32>
    %add3A_65 = arith.addf %add3A_60, %add3A_64 : vector<2048x256xf32>
    %max3A_66 = arith.constant 0.000000e+00 : f32
    %max3A_67 = vector.broadcast %max3A_66 : f32 to vector<2048x256xf32>
    %max3A_68 = arith.maximumf %add3A_65, %max3A_67 : vector<2048x256xf32>
    %get3A_69 = arith.constant 0 : index
    %get3A_70 = arith.constant 0 : index
    %get3A_71 = vector.load %arg9[%get3A_69, %get3A_70] : memref<256x1xf32, #tpu.memory_space<vmem>>, vector<256x1xf32>
    %dot_general3A_72 = arith.constant dense<0.000000e+00> : vector<2048x1xf32>
    %dot_general3A_73 = tpu.matmul %max3A_68, %get3A_71, %dot_general3A_72 {dimension_numbers = #tpu.dot_dimension_numbers<[1], [0], [0], [1], [0, 0, 1, 1], [], []>, transpose_lhs_hint = false} : vector<2048x256xf32>, vector<256x1xf32>, vector<2048x1xf32> -> vector<2048x1xf32>
    %get3A_74 = arith.constant 0 : index
    %get3A_75 = arith.constant 0 : index
    %get3A_76 = vector.load %arg10[%get3A_74, %get3A_75] : memref<1x1xf32, #tpu.memory_space<vmem>>, vector<1x1xf32>
    %get3A_77 = vector.extract %get3A_76[0, 0] : f32 from vector<1x1xf32>
    %add3A_78 = vector.broadcast %get3A_77 : f32 to vector<2048x1xf32>
    %add3A_79 = arith.addf %dot_general3A_73, %add3A_78 : vector<2048x1xf32>
    %broadcast_in_dim3A = vector.shape_cast %add3A_79 : vector<2048x1xf32> to vector<2048x1xf32>
    %broadcast_in_dim3A_80 = vector.broadcast %broadcast_in_dim3A : vector<2048x1xf32> to vector<2048x16xf32>
    %swap3A = arith.constant 0 : index
    %swap3A_81 = arith.constant 0 : index
    %swap3A_82 = arith.constant 0 : index
    %swap3A_83 = arith.constant 0 : index
    %swap3A_84 = vector.load %arg11[%swap3A, %swap3A_81, %swap3A_82, %swap3A_83] : memref<1x1x2048x16xf32, #tpu.memory_space<vmem>>, vector<1x1x2048x16xf32>
    %swap3A_85 = vector.shape_cast %swap3A_84 : vector<1x1x2048x16xf32> to vector<2048x16xf32>
    %swap3A_86 = vector.shape_cast %broadcast_in_dim3A_80 : vector<2048x16xf32> to vector<1x1x2048x16xf32>
    tpu.vector_store %arg11[%swap3A, %swap3A_81, %swap3A_82, %swap3A_83], %swap3A_86 {strides = array<i32>} : memref<1x1x2048x16xf32, #tpu.memory_space<vmem>>, vector<1x1x2048x16xf32>,
    return
  }
  func.func @transform_0(%arg0: i32, %arg1: i32) -> (i32, i32, i32, i32) {
    %c0_i32 = arith.constant 0 : i32
    %c0_i32_0 = arith.constant 0 : i32
    %c0_i32_1 = arith.constant 0 : i32
    return %arg0, %arg1, %c0_i32, %c0_i32_0 : i32, i32, i32, i32
  }
  func.func @transform_1(%arg0: i32, %arg1: i32) -> (i32, i32, i32, i32) {
    %c0_i32 = arith.constant 0 : i32
    %c0_i32_0 = arith.constant 0 : i32
    %c0_i32_1 = arith.constant 0 : i32
    return %arg0, %arg1, %c0_i32, %c0_i32_0 : i32, i32, i32, i32
  }
  func.func @transform_2(%arg0: i32, %arg1: i32) -> (i32, i32, i32, i32) {
    %c0_i32 = arith.constant 0 : i32
    %c0_i32_0 = arith.constant 0 : i32
    %c0_i32_1 = arith.constant 0 : i32
    return %arg0, %arg1, %c0_i32, %c0_i32_0 : i32, i32, i32, i32
  }
  func.func @transform_3(%arg0: i32, %arg1: i32) -> (i32, i32, i32, i32) {
    %c0_i32 = arith.constant 0 : i32
    %c0_i32_0 = arith.constant 0 : i32
    %c0_i32_1 = arith.constant 0 : i32
    return %arg0, %arg1, %c0_i32, %c0_i32_0 : i32, i32, i32, i32
  }
  func.func @transform_4(%arg0: i32, %arg1: i32) -> (i32, i32, i32, i32) {
    %c0_i32 = arith.constant 0 : i32
    %c0_i32_0 = arith.constant 0 : i32
    %c0_i32_1 = arith.constant 0 : i32
    return %arg0, %arg1, %c0_i32, %c0_i32_0 : i32, i32, i32, i32
  }
  func.func @transform_5(%arg0: i32, %arg1: i32) -> (i32, i32) {
    %c0_i32 = arith.constant 0 : i32
    %c0_i32_0 = arith.constant 0 : i32
    %c0_i32_1 = arith.constant 0 : i32
    return %c0_i32, %c0_i32_0 : i32, i32
  }
  func.func @transform_6(%arg0: i32, %arg1: i32) -> (i32, i32) {
    %c0_i32 = arith.constant 0 : i32
    %c0_i32_0 = arith.constant 0 : i32
    %c0_i32_1 = arith.constant 0 : i32
    return %c0_i32, %c0_i32_0 : i32, i32
  }
  func.func @transform_7(%arg0: i32, %arg1: i32) -> (i32, i32) {
    %c0_i32 = arith.constant 0 : i32
    %c0_i32_0 = arith.constant 0 : i32
    %c0_i32_1 = arith.constant 0 : i32
    return %c0_i32, %c0_i32_0 : i32, i32
  }
  func.func @transform_8(%arg0: i32, %arg1: i32) -> (i32, i32) {
    %c0_i32 = arith.constant 0 : i32
    %c0_i32_0 = arith.constant 0 : i32
    %c0_i32_1 = arith.constant 0 : i32
    return %c0_i32, %c0_i32_0 : i32, i32
  }
  func.func @transform_9(%arg0: i32, %arg1: i32) -> (i32, i32, i32, i32) {
    %c0_i32 = arith.constant 0 : i32
    %c0_i32_0 = arith.constant 0 : i32
    %c0_i32_1 = arith.constant 0 : i32
    return %arg0, %arg1, %c0_i32, %c0_i32_0 : i32, i32, i32, i32
  }
}

</mosaic_0001>

<sc_bundles>
// kernel: gather_offload_async_start.1
scs
__scs_entry_jumppad:
0x0: {  	(pc) =	sbr.rel $0x88, $3  }
0x1: {  	(tag) =	ssettag $0x0;
	lr =	simm.s32 $0x1  }
0x2: {  	[smem:$0x3F93] =	sst lr;
	_ =	strace $0xD0000000  }
0x3: {  	_ = 	snop  }
0x4: {  	_ = 	snop  }
0x5: {  	_ = 	snop  }
0x6: {  	_ = 	snop  }
0x7: {  	_ = 	snop  }
__scs_overlays_trampoline_lowered:
0x8: {  	[smem:$0x3FA2] =	sst s0  }
0x9: {  	[smem:$0x3FA3] =	sst s1  }
0xa: {  	[smem:$0x3FA4] =	sst s2  }
0xb: {  	[smem:$0x3FA5] =	sst s3  }
0xc: {  	[smem:$0x3FA6] =	sst s4  }
0xd: {  	[smem:$0x3FA7] =	sst s5  }
0xe: {  	[smem:$0x3FA8] =	sst s6  }
0xf: {  	[smem:$0x3FA9] =	sst s7  }
0x10: {  	[smem:$0x3FAA] =	sst s8  }
0x11: {  	[smem:$0x3FAB] =	sst s9;
	s0 =	simm.s32 @!p0 $0x0  }
0x12: {  	s1 =	sld [smem:$0x3F91];
	s0 =	simm.s32 @p0 $0x1  }
0x13: {  	[smem:$0x3FAC] =	sst s0;
	s0 =	simm.s32 @!p1 $0x0  }
0x14: {  	s2 =	sld [smem:$0x3F90];
	s0 =	simm.s32 @p1 $0x1  }
0x15: {  	[smem:$0x3FAD] =	sst s0;
	s0 =	simm.s32 @!p2 $0x0  }
0x16: {  	s3 =	sld [smem:$0x3FDB];
	s0 =	simm.s32 @p2 $0x1  }
0x17: {  	s4 =	simm.s32 $0x1BF5;
	[smem:$0x3FAF] =	sst s0  }
0x18: {  	s0 =	sld [smem:$0x3F92];
	_ =	swait.ge [sflag:s4], $0x0  }
0x19: {  	s7 =	sld [smem:$0x3F93]  }
0x1a: {  	s8 =	sadd.s32 $0xFFFFE003, lr  }
0x1b: {  	s9 =	sadd.s32 $0xFFFFFEF7, lr;
	s5 =	simm.s32 $0xFFFFFFFF;
	p2 =	slt.u32 s8, $0xFFFFF086  }
0x1c: {  	p1 =	slt.u32 s9, $0xF7A;
	s5 =	simm.s32 @!p2 $0x0  }
0x1d: {  	s5 =	simm.s32 @p1 $0x1;
	p0 =	seq.s32 s7, s2  }
0x1e: {  	s7 =	smul.u32 @!p0 $0xF7A, s2;
	p2 =	seq.s32 @!p0 s5, $0x0  }
0x1f: {  	s9 =	smul.u32 $0xF7A, s1;
	s8 =	simm.s32 @!p0 $0x1BF5;
	p2 =	por !p2, p0  }
0x20: {  	[sflag:s8] =	ssyncset.s32 @!p0 $0xFFFFF086;
	s6 =	sadd.s32 @!p0 s3, s7;
	s7 =	simm.s32 @!p0 $0x108  }
0x21: {  	s3 =	sadd.s32 s3, s9;
	s6 =	sadd.s32 @!p0 $0x88, s6;
	s7 =	simm.s32 @p2 $0x1082  }
0x22: {  	[simem:s7], [sflag:s8] =	dma.local @!p0 [hbm:s6], $0xF7A  }
0x23: {  	s9 =	sor.u32 $0xD0000000, s2;
	s6 =	simm.s32 $0x108;
	_ =	swait.ge @!p0 [sflag:s8], $0x0  }
0x24: {  	s3 =	sadd.s32 $0x88, s3;
	s6 =	simm.s32 @!p1 $0x1082;
	[sflag:s4] =	ssyncset.s32 $0xFFFFF086  }
0x25: {  	[simem:s6], [sflag:s4] =	dma.local [hbm:s3], $0xF7A  }
0x26: {  	[smem:$0x3F93] =	sst s1;
	(tag) =	ssettag s2;
	_ =	strace s9  }
0x27: {  	s1 =	sld [smem:$0x3FA3]  }
0x28: {  	s2 =	sld [smem:$0x3FA4]  }
0x29: {  	s4 =	sld [smem:$0x3FA6]  }
0x2a: {  	p0 =	seq.s32 s5, $0x0;
	s5 =	sld [smem:$0x3FA7]  }
0x2b: {  	s6 =	sld [smem:$0x3FA8]  }
0x2c: {  	s7 =	sld [smem:$0x3FA9]  }
0x2d: {  	s3 =	simm.s32 $0x108;
	s8 =	sld [smem:$0x3FAA]  }
0x2e: {  	s3 =	simm.s32 @!p0 $0x1082;
	s9 =	sld [smem:$0x3FAB]  }
0x2f: {  	lr =	sadd.s32 s0, s3;
	s0 =	sld [smem:$0x3FA2]  }
0x30: {  	s3 =	sld [smem:$0x3FA5]  }
0x31: {  	[smem:$0x3FAE] =	sst s10  }
0x32: {  	s10 =	sld [smem:$0x3FAC];
	_ =	sdelay $0x3  }
0x33: {  	p0 =	seq.s32 s10, $0x1;
	s10 =	sld [smem:$0x3FAE];
	_ =	sdelay $0x3  }
0x34: {  	[smem:$0x3FAE] =	sst s10  }
0x35: {  	s10 =	sld [smem:$0x3FAD];
	_ =	sdelay $0x3  }
0x36: {  	p1 =	seq.s32 s10, $0x1;
	s10 =	sld [smem:$0x3FAE];
	_ =	sdelay $0x3  }
0x37: {  	[smem:$0x3FAE] =	sst s10  }
0x38: {  	s10 =	sld [smem:$0x3FAF]  }
0x39: {  	_ = 	snop;
	(pc) =	sbr.ind lr, $3  }
0x3a: {  	_ = 	snop  }
0x3b: {  	_ = 	snop  }
0x3c: {  	p2 =	seq.s32 s10, $0x1;
	s10 =	sld [smem:$0x3FAE]  }
0x3d: {  	_ =	shalt  }
0x3e: {  	_ =	shalt  }
0x3f: {  	_ =	shalt  }
0x40: {  	_ =	shalt  }
0x41: {  	_ =	shalt  }
0x42: {  	_ =	shalt  }
0x43: {  	_ =	shalt  }
0x44: {  	_ =	shalt  }
0x45: {  	_ =	shalt  }
0x46: {  	_ =	shalt  }
0x47: {  	_ =	shalt  }
0x48: {  	_ =	shalt  }
0x49: {  	_ =	shalt  }
0x4a: {  	_ =	shalt  }
0x4b: {  	_ =	shalt  }
0x4c: {  	_ =	shalt  }
0x4d: {  	_ =	shalt  }
0x4e: {  	_ =	shalt  }
0x4f: {  	_ =	shalt  }
0x50: {  	_ =	shalt  }
0x51: {  	_ =	shalt  }
0x52: {  	_ =	shalt  }
0x53: {  	_ =	shalt  }
0x54: {  	_ =	shalt  }
0x55: {  	_ =	shalt  }
0x56: {  	_ =	shalt  }
0x57: {  	_ =	shalt  }
0x58: {  	_ =	shalt  }
0x59: {  	_ =	shalt  }
0x5a: {  	_ =	shalt  }
0x5b: {  	_ =	shalt  }
0x5c: {  	_ =	shalt  }
0x5d: {  	_ =	shalt  }
0x5e: {  	_ =	shalt  }
0x5f: {  	_ =	shalt  }
0x60: {  	_ =	shalt  }
0x61: {  	_ =	shalt  }
0x62: {  	_ =	shalt  }
0x63: {  	_ =	shalt  }
0x64: {  	_ =	shalt  }
0x65: {  	_ =	shalt  }
0x66: {  	_ =	shalt  }
0x67: {  	_ =	shalt  }
0x68: {  	_ =	shalt  }
0x69: {  	_ =	shalt  }
0x6a: {  	_ =	shalt  }
0x6b: {  	_ =	shalt  }
0x6c: {  	_ =	shalt  }
0x6d: {  	_ =	shalt  }
0x6e: {  	_ =	shalt  }
0x6f: {  	_ =	shalt  }
0x70: {  	_ =	shalt  }
0x71: {  	_ =	shalt  }
0x72: {  	_ =	shalt  }
0x73: {  	_ =	shalt  }
0x74: {  	_ =	shalt  }
0x75: {  	_ =	shalt  }
0x76: {  	_ =	shalt  }
0x77: {  	_ =	shalt  }
0x78: {  	_ =	shalt  }
0x79: {  	_ =	shalt  }
0x7a: {  	_ =	shalt  }
0x7b: {  	_ =	shalt  }
0x7c: {  	_ =	shalt  }
0x7d: {  	_ =	shalt  }
0x7e: {  	_ =	shalt  }
0x7f: {  	_ =	shalt  }
0x80: {  	_ =	shalt  }
0x81: {  	_ =	shalt  }
0x82: {  	_ =	shalt  }
0x83: {  	_ =	shalt  }
0x84: {  	_ =	shalt  }
0x85: {  	_ =	shalt  }
0x86: {  	_ =	shalt  }
0x87: {  	_ =	shalt  }
.Lfunc_end0:
.L_simem_size_0:
called_computation.3_lowered:
.L_overlay_start_0:
0x88: {  	s2 =	sld [smem:$0x3FD9]  }
0x89: {  	s3 =	sld [smem:$0x3FFE];
	_ =	sdelay $0x1  }
0x8a: {  	s1 =	srdreg.scid  }
0x8b: {  	s0 =	sand.u32 $0x1, s1  }
0x8c: {  	s15 =	sshll.u32 s0, $0xA;
	s2 =	sadd.s32 s3, s2  }
0x8d: {  	s2 =	sadd.s32 s2, s15  }
0x8e: {  	[smem:$0x3FBA] =	sst s2  }
0x8f: {  	_ = 	snop  }
0x90: {  	s2 =	sld [smem:$0x3FD0];
	_ =	sdelay $0x2  }
0x91: {  	s16 =	simm.s32 $0xB;
	s4 =	simm.s32 $0x10  }
0x92: {  	[smem:s4], [sflag:s16] =	dma.local [hbm:s2], $0x1  }
0x93: {  	_ =	swait.eq [sflag:s16], $0x1  }
0x94: {  	[sflag:s16] =	ssyncset.done $0x0  }
0x95: {  	[sflag:s16] =	ssyncadd.s32 $0xFFFFFFFF  }
0x96: {  	s17 =	sld [smem:$0x10];
	(tm) =	ssettm $0x1  }
0x97: {  	s18 =	sld [smem:$0x3FFB];
	_ =	sdelay $0x3  }
0x98: {  	_ =	strace s18  }
0x99: {  	s2 =	sld [smem:$0x3FFC];
	_ =	sdelay $0x3  }
0x9a: {  	_ =	strace s2  }
0x9b: {  	s2 =	sld [smem:$0x3FFD];
	_ =	sdelay $0x3  }
0x9c: {  	_ =	strace s2  }
0x9d: {  	_ =	strace $0x8FFFFFFF  }
0x9e: {  	s19 =	sld [smem:$0x3FDB];
	_ =	sdelay $0x1  }
0x9f: {  	s20 =	simm.s32 $_scs_section_size  }
0xa0: {  	s5 =	simm.s32 $_size__tile_overlayer_lowered;
	s6 =	simm.s32 $_tile_overlayer_lowered  }
0xa1: {  	s7 =	simm.s32 $0x1BFF;
	s21 =	sshll.u32 s6, $0x1;
	s4 =	sadd.s32 s20, s19  }
0xa2: {  	s22 =	simm.s32 $0x0;
	s5 =	sshll.u32 s5, $0x1;
	s6 =	sadd.s32 s21, s4  }
0xa3: {  	[timem:s22], [sflag:s7] =	dma.local [hbm:s6], s5  }
0xa4: {  	_ =	swait.ge [sflag:s7], s5  }
0xa5: {  	s5 =	ssub.s32 $0x0, s5;
	[sflag:s7] =	ssyncset.done $0x0  }
0xa6: {  	[sflag:s7] =	ssyncadd.s32 s5;
	_ =	sdelay $0x1  }
0xa7: {  	s23 =	simm.s32 $0x1B8B  }
0xa8: {  	_ =	swait.ge [sflag:s23], $0x1  }
0xa9: {  	[sflag:s23] =	ssyncset.done $0x0  }
0xaa: {  	[sflag:s23] =	ssyncadd.s32 $0xFFFFFFFF  }
0xab: {  	s5 =	sld [smem:$0x0]  }
0xac: {  	s6 =	sand.u32 $0xFFFFFFFE, s1  }
0xad: {  	p0 =	sne.s32 s1, s6  }
0xae: {  	s6 =	sshll.u32 @p0 s6, $0xE  }
0xaf: {  	s6 =	sadd.s32 @p0 $0x11B8D, s6;
	s7 =	sshll.u32 @p0 s5, $0x11  }
0xb0: {  	s6 =	sor.u32 @p0 s7, s6  }
0xb1: {  	[sflag:s6] =	ssyncadd.remote.s32 @p0 $0x1;
	_ =	sdelay $0x1  }
0xb2: {  	s6 =	simm.s32 @p0 $0x1B8D  }
0xb3: {  	_ =	swait.eq @p0 [sflag:s6], $0x1  }
0xb4: {  	[sflag:s6] =	ssyncadd.s32 @p0 $0xFFFFFFFF  }
0xb5: {  	s7 =	sshll.u32 @!p0 s1, $0xE  }
0xb6: {  	s7 =	sor.u32 @!p0 $0x4000, s7;
	s6 =	simm.s32 @!p0 $0x1B8D  }
0xb7: {  	s5 =	sshll.u32 @!p0 s5, $0x11;
	s7 =	sadd.s32 @!p0 $0x11B8D, s7;
	_ =	swait.eq @!p0 [sflag:s6], $0x1  }
0xb8: {  	s5 =	sor.u32 @!p0 s5, s7;
	[sflag:s6] =	ssyncadd.s32 @!p0 $0xFFFFFFFF  }
0xb9: {  	s25 =	simm.s32 $0x1B8E;
	s24 =	sld [smem:$0x3FFE];
	[sflag:s5] =	ssyncadd.remote.s32 @!p0 $0x1  }
0xba: {  	s26 =	simm.s32 $execute0_lowered;
	[smem:$0x3FD2] =	sst s25  }
0xbb: {  	s6 =	sshll.u32 s26, $0x1;
	_ =	strace $0x8000004C;
	[dreg:$0x1] =	wrdreg $0xFFFFFFFF  }
0xbc: {  	s28 =	simm.s32 $_size_execute0_lowered;
	s4 =	sadd.s32 s4, s6;
	[dreg:$0x0] =	wrdreg $0x0  }
0xbd: {  	s6 =	sshll.u32 s28, $0x1;
	[dreg:$0x2] =	wrdreg s4  }
0xbe: {  	[dreg:$0x3] =	wrdreg s6  }
0xbf: {  	[dreg:$0x4] =	wrdreg $0xC0  }
0xc0: {  	_ =	task [dreg:s22], $0x5FFFF  }
0xc1: {  	[dreg:$0x1] =	wrdreg $0xFFFFFFFF  }
0xc2: {  	[dreg:$0x0] =	wrdreg $0x60  }
0xc3: {  	[dreg:$0x2] =	wrdreg s17  }
0xc4: {  	[dreg:$0x3] =	wrdreg s24  }
0xc5: {  	[dreg:$0x4] =	wrdreg $0xA  }
0xc6: {  	_ =	task.clear_ibuf [dreg:s22], $0x5FFFF;
	_ =	strace $0x9000004C  }
0xc7: {  	s29 =	simm.s32 $0xA;
	_ =	strace $0x8000004E  }
0xc8: {  	_ =	swait.ge [sflag:s29], $0x1  }
0xc9: {  	[sflag:s29] =	ssyncadd.s32 $0xFFFFFFFF  }
0xca: {  	_ =	strace $0x9000004E  }
0xcb: {  	_ =	sfence  }
0xcc: {  	s30 =	sld [smem:$0x0];
	_ =	sdelay $0x2  }
0xcd: {  	s31 =	sshll.u32 s1, $0xD;
	s1 =	sshrl.u32 s1, $0x2  }
0xce: {  	s4 =	sand.u32 $0x4000, s31;
	s1 =	sadd.s32 s1, s30  }
0xcf: {  	s0 =	sor.u32 s4, s0;
	s1 =	sshll.u32 s1, $0x11  }
0xd0: {  	s0 =	sor.u32 s1, s0  }
0xd1: {  	s0 =	sadd.s32 $0x8F2B, s0  }
0xd2: {  	[sflag:s0] =	ssyncadd.remote.s32 $0x1  }
0xd3: {  	_ =	sfence.sel $0xFFFF  }
0xd4: {  	[dreg:$0x0] =	wrdreg $0xFFFFFFFF;
	(pc) =	sbr.abs _section_cstart, $3  }
0xd5: {  	[dreg:$0x1] =	wrdreg $0xFFFFFFFF  }
0xd6: {  	_ =	task.clear_ibuf [dreg:s22], $0x2FFFF;
	_ =	strace $0x9FFFFFFF  }
0xd7: {  	(tm) =	ssettm $0x7FFFFFFF  }
tec
execute0_lowered:
.L_overlay_start_1:
0x0: {  	(tag) =	ssettag $0x1  }
0x1: {  	s2 =	rddreg [dreg:$0x0];
	s0 =	srdreg.scid  }
0x2: {  	s5 =	rddreg [dreg:$0x1];
	s1 =	stileid.u32;
	s6 =	simm.s32 $0x1  }
0x3: {  	s9 =	simm.s32 $0x1;
	s10 =	simm.s32 $0x3;
	s3 =	sshll.u32 s0, $0xA  }
0x4: {  	s13 =	simm.s32 $0x0;
	s4 =	sshll.u32 s1, $0xB;
	s3 =	sand.u32 $0x400, s3  }
0x5: {  	s0 =	rddreg [dreg:$0x2];
	_ =	strace $0x8000004D;
	s3 =	sor.u32 s4, s3  }
0x6: {  	s12 =	simm.s32 $0x0;
	[sflag:s6] =	ssyncpa.u1 $0x0;
	s8 =	ssub.s32 $0xA000, s3  }
.Ltmp0:
0x7: {  	s4 =	sadd.s32 $0x206400, s5;
	s7 =	sand.u32 $0x7C00, s8;
	(pc) =	sbr.rel .LBB2_1-.Ltmp0, $4  }
0x8: {  	s5 =	sadd.s32 $0x3C00, s5;
	s11 =	smov.u32 s3;
	p0 =	sne.s32 s7, $0x0  }
0x9: {  	s8 =	sshrl.u32 s8, $0xF;
	s7 =	simm.s32 $0x2;
	s9 =	simm.s32 @!p0 $0x0  }
0xa: {  	[sflag:s7] =	ssyncpa.u1 $0x0;
	p0 =	por $0x0, $0x0;
	s8 =	sadd.s32 s9, s8  }
0xb: {  	vm0 =	vmmov $0xffff;
	[sflag:s10] =	ssyncpa.u1 $0x0;
	s10 =	simm.s32 $0x0;
	s9 =	sadd.s32 $0x1, s8  }
.LBB2_4:
0xc: {  	v2 =	vnsel vm1, $0x0, v2  }
0xd: {  	vm1 =	vgt.s32 v0, $0x0;
	v2 =	vmin.u32 v2, $0x1FFFF  }
0xe: {  	v0 =	vnsel vm1, $0x0, v0  }
0xf: {  	v0 =	vmin.u32 v0, $0x1FFFF  }
0x10: {  	[tilespmem:s15], [sflag:$0x1] =	stream.indirect_vreg.gather [hbm4b:s2+s10], $0x1, v1, vm0, $0x4038;
	[tilespmem:$0x1000] =	vst v63  }
0x11: {  	(ifvalue) =	ssetifvalue $0x7FFFFFFF  }
0x12: {  	[tilespmem:s16], [sflag:$0x1] =	stream.indirect_vreg.gather [hbm4b:s2+s10], $0x1, v2, vm0, $0x4038;
	[tilespmem:$0x1000] =	vst v63  }
0x13: {  	s29 =	sadd.s32 $0x10, s16;
	(ifvalue) =	ssetifvalue $0x7FFFFFFF  }
0x14: {  	[tilespmem:s29], [sflag:$0x1] =	stream.indirect_vreg.gather [hbm4b:s2+s10], $0x1, v0, vm0, $0x4038;
	[tilespmem:$0x1000] =	vst v63  }
0x15: {  	_ =	swait.ge [sflag:s6], $0x400  }
0x16: {  	s30 =	sshrl.u32 s13, $0x3;
	[sflag:s6] =	ssyncset.done $0x0  }
0x17: {  	s31 =	sand.u32 $0x7, s13;
	s15 =	sadd.s32 s5, s30;
	[sflag:s6] =	ssyncadd.s32 $0xFFFFFC00  }
0x18: {  	[hbm4b:s15+s31] =	stream.linear.scatter [tilespmem:s14], [sflag:$0x3], $0x400, $0x38;
	[tilespmem:$0x1000] =	vst v63  }
.LBB2_5:
0x19: {  	s15 =	sadd.s32 $0x8000, s11  }
0x1a: {  	p2 =	sgt.s32 s15, $0x9FFF  }
0x1b: {  	s15 =	smov.u32 @p2 s3;
	p2 =	sne.s32 s12, s9  }
.Ltmp1:
0x1c: {  	p1 =	slt.u32 s12, $0x2;
	(pc) =	sbr.rel @!p2 .LBB2_6-.Ltmp1, $4  }
0x1d: {  	s14 =	simm.s32 @!p1 $0x3  }
0x1e: {  	s16 =	sadd.s32 $0x1, s12;
	_ =	swait.ge @!p1 [sflag:s14], $0x400  }
0x1f: {  	s13 =	smov.u32 s11;
	p0 =	por !p0, !p0;
	[sflag:s14] =	ssyncset.done @!p1 $0x0  }
0x20: {  	s12 =	smov.u32 s16;
	s11 =	smov.u32 s15;
	[sflag:s14] =	ssyncadd.s32 @!p1 $0xFFFFFC00  }
.LBB2_1:
0x21: {  	p1 =	sge.u32 s12, s8  }
0x22: {  	s14 =	sxor.u32 @!p1 $0xFFFFFFFF, s12  }
0x23: {  	s31 =	sadd.s32 $0xFFFFFFFF, s12;
	s15 =	sshrl.u32 @!p1 s11, $0x3;
	s14 =	sshll.u32 @!p1 s14, $0xA  }
0x24: {  	s16 =	sand.u32 @!p1 $0x7, s11;
	s15 =	sadd.s32 @!p1 s4, s15;
	s14 =	sand.u32 @!p1 $0x400, s14  }
0x25: {  	[tilespmem:s14], [sflag:$0x2] =	stream.linear.gather @!p1 [hbm4b:s15+s16], $0x400, $0x38;
	[tilespmem:$0x1000] =	vst v63  }
0x26: {  	p1 =	sge.u32 s31, s8  }
.Ltmp2:
0x27: {  	_ = 	snop;
	(pc) =	sbr.rel @p1 .LBB2_5-.Ltmp2, $1  }
0x28: {  	_ =	sdelay $0x3  }
0x29: {  	s14 =	simm.s32 $0x1  }
0x2a: {  	_ =	swait.ge [sflag:s7], $0x400;
	s14 =	simm.s32 @!p0 $0x0  }
0x2b: {  	[sflag:s7] =	ssyncset.done $0x0;
	s14 =	sshll.u32 s14, $0xA  }
0x2c: {  	[sflag:s7] =	ssyncadd.s32 $0xFFFFFC00;
	(ifvalue) =	ssetifvalue $0x7FFFFFFF;
	v0 =	vld.msk [tilespmem:s14+$0x0 ss:$0x1], $0xffff;
	_ =	sdelay $0x4  }
0x2d: {  	s15 =	sadd.s32 $0x10, s14;
	vm1 =	vgt.s32 v0, $0x0  }
0x2e: {  	v2 =	vld.msk [tilespmem:s15+$0x0 ss:$0x1], $0xffff;
	v1 =	vnsel vm1, $0x0, v0  }
0x2f: {  	v1 =	vmin.u32 v1, $0x1FFFF;
	_ =	sdelay $0x1  }
0x30: {  	s16 =	sshll.u32 s12, $0xA;
	s18 =	simm.s32 $0x20  }
0x31: {  	s16 =	sand.u32 $0x400, s16;
	s17 =	sadd.s32 $0x10, s15;
	s15 =	sor.u32 $0x800, s14  }
0x32: {  	s14 =	sor.u32 $0x800, s16;
	s16 =	sadd.s32 $0x10, s15;
	v0 =	vld.msk [tilespmem:s17+$0x0 ss:$0x1], $0xffff;
	vm1 =	vgt.s32 v2, $0x0;
	(ifvalue) =	ssetifvalue $0x7FFFFFFF  }
.LBB2_3:
0x33: {  	[tilespmem:s15], [sflag:$0x1] =	stream.indirect_vreg.gather [hbm4b:s2+s10], $0x1, v1, vm0, $0x4038;
	[tilespmem:$0x1000] =	vst v63  }
0x34: {  	s18 =	sadd.s32 $0x10, s18  }
0x35: {  	v2 =	vnsel vm1, $0x0, v2;
	p1 =	slt.u32 s18, $0x3F0  }
.Ltmp3:
0x36: {  	s15 =	smov.u32 s16;
	v1 =	vmin.u32 v2, $0x1FFFF;
	(pc) =	sbr.rel @p1 .LBB2_3-.Ltmp3, $3  }
0x37: {  	_ =	sdelay $0x1  }
0x38: {  	s17 =	sadd.s32 $0x10, s17  }
0x39: {  	vm1 =	vgt.s32 v0, $0x0;
	s16 =	sadd.s32 $0x10, s16;
	v2 =	vmov v0;
	(ifvalue) =	ssetifvalue $0x7FFFFFFF;
	v0 =	vld.msk [tilespmem:s17+$0x0 ss:$0x1], $0xffff  }
.Ltmp4:
0x3a: {  	_ = 	snop;
	(pc) =	sbr.rel .LBB2_4-.Ltmp4, $1  }
0x3b: {  	_ =	sdelay $0x3  }
.LBB2_6:
0x3c: {  	_ =	sfence.sel $0x180000  }
0x3d: {  	s2 =	simm.s32 $0x2;
	[bflag:$0x0] =	sbarrier.arrive $0xFFFF  }
0x3e: {  	s30 =	simm.s32 $0x3;
	[sflag:s2] =	ssyncpa.u1 $0x1  }
0x3f: {  	s31 =	simm.s32 $0x1;
	[sflag:s30] =	ssyncpa.u1 $0x1  }
0x40: {  	[sflag:s31] =	ssyncpa.u1 $0x1  }
0x41: {  	p0 =	sne.s32 s1, $0x0;
	_ =	strace $0x9000004D  }
0x42: {  	s0 =	sadd.s32 @!p0 $0x100000, s0;
	[bflag:$0x2] =	sbarrier.arrive $0xFFFF  }
0x43: {  	[sflag:s0] =	ssyncadd.tile.s32 @!p0 $0x1;
	_ =	shalt  }
.Lfunc_end2:
_tile_overlayer_lowered:
.L_overlay_start_2:
0x44: {  	(tag) =	ssettag $0x2  }
0x45: {  	s0 =	rddreg [dreg:$0x0];
	s2 =	stileid.u32  }
0x46: {  	s1 =	rddreg [dreg:$0x1];
	p0 =	sne.s32 s2, $0x0  }
0x47: {  	s3 =	rddreg [dreg:$0x2];
	[bflag:$0x3] =	sbarrier.arrive $0xFFFF;
	s2 =	simm.s32 @!p0 $0x1C01  }
0x48: {  	[timem:s3], [sflag:s2] =	dma.local @!p0 [hbm:s0], s1  }
0x49: {  	s0 =	simm.s32 @!p0 $0x1  }
0x4a: {  	_ =	swait.ge @!p0 [sflag:s0], s1  }
0x4b: {  	s1 =	ssub.s32 @!p0 $0x0, s1;
	[sflag:s0] =	ssyncset.done @!p0 $0x0  }
0x4c: {  	[sflag:s0] =	ssyncadd.s32 @!p0 s1  }
0x4d: {  	[bflag:$0x3] =	sbarrier.arrive $0xFFFF  }
0x4e: {  	_ =	shalt  }

// kernel: gather_offload_async_start
scs
__scs_entry_jumppad:
0x0: {  	(pc) =	sbr.rel $0x88, $3  }
0x1: {  	(tag) =	ssettag $0x0;
	lr =	simm.s32 $0x1  }
0x2: {  	[smem:$0x3F93] =	sst lr;
	_ =	strace $0xD0000000  }
0x3: {  	_ = 	snop  }
0x4: {  	_ = 	snop  }
0x5: {  	_ = 	snop  }
0x6: {  	_ = 	snop  }
0x7: {  	_ = 	snop  }
__scs_overlays_trampoline_lowered:
0x8: {  	[smem:$0x3FA2] =	sst s0  }
0x9: {  	[smem:$0x3FA3] =	sst s1  }
0xa: {  	[smem:$0x3FA4] =	sst s2  }
0xb: {  	[smem:$0x3FA5] =	sst s3  }
0xc: {  	[smem:$0x3FA6] =	sst s4  }
0xd: {  	[smem:$0x3FA7] =	sst s5  }
0xe: {  	[smem:$0x3FA8] =	sst s6  }
0xf: {  	[smem:$0x3FA9] =	sst s7  }
0x10: {  	[smem:$0x3FAA] =	sst s8  }
0x11: {  	[smem:$0x3FAB] =	sst s9;
	s0 =	simm.s32 @!p0 $0x0  }
0x12: {  	s1 =	sld [smem:$0x3F91];
	s0 =	simm.s32 @p0 $0x1  }
0x13: {  	[smem:$0x3FAC] =	sst s0;
	s0 =	simm.s32 @!p1 $0x0  }
0x14: {  	s2 =	sld [smem:$0x3F90];
	s0 =	simm.s32 @p1 $0x1  }
0x15: {  	[smem:$0x3FAD] =	sst s0;
	s0 =	simm.s32 @!p2 $0x0  }
0x16: {  	s3 =	sld [smem:$0x3FDB];
	s0 =	simm.s32 @p2 $0x1  }
0x17: {  	s4 =	simm.s32 $0x1BF5;
	[smem:$0x3FAF] =	sst s0  }
0x18: {  	s0 =	sld [smem:$0x3F92];
	_ =	swait.ge [sflag:s4], $0x0  }
0x19: {  	s7 =	sld [smem:$0x3F93]  }
0x1a: {  	s8 =	sadd.s32 $0xFFFFE003, lr  }
0x1b: {  	s9 =	sadd.s32 $0xFFFFFEF7, lr;
	s5 =	simm.s32 $0xFFFFFFFF;
	p2 =	slt.u32 s8, $0xFFFFF086  }
0x1c: {  	p1 =	slt.u32 s9, $0xF7A;
	s5 =	simm.s32 @!p2 $0x0  }
0x1d: {  	s5 =	simm.s32 @p1 $0x1;
	p0 =	seq.s32 s7, s2  }
0x1e: {  	s7 =	smul.u32 @!p0 $0xF7A, s2;
	p2 =	seq.s32 @!p0 s5, $0x0  }
0x1f: {  	s9 =	smul.u32 $0xF7A, s1;
	s8 =	simm.s32 @!p0 $0x1BF5;
	p2 =	por !p2, p0  }
0x20: {  	[sflag:s8] =	ssyncset.s32 @!p0 $0xFFFFF086;
	s6 =	sadd.s32 @!p0 s3, s7;
	s7 =	simm.s32 @!p0 $0x108  }
0x21: {  	s3 =	sadd.s32 s3, s9;
	s6 =	sadd.s32 @!p0 $0x88, s6;
	s7 =	simm.s32 @p2 $0x1082  }
0x22: {  	[simem:s7], [sflag:s8] =	dma.local @!p0 [hbm:s6], $0xF7A  }
0x23: {  	s9 =	sor.u32 $0xD0000000, s2;
	s6 =	simm.s32 $0x108;
	_ =	swait.ge @!p0 [sflag:s8], $0x0  }
0x24: {  	s3 =	sadd.s32 $0x88, s3;
	s6 =	simm.s32 @!p1 $0x1082;
	[sflag:s4] =	ssyncset.s32 $0xFFFFF086  }
0x25: {  	[simem:s6], [sflag:s4] =	dma.local [hbm:s3], $0xF7A  }
0x26: {  	[smem:$0x3F93] =	sst s1;
	(tag) =	ssettag s2;
	_ =	strace s9  }
0x27: {  	s1 =	sld [smem:$0x3FA3]  }
0x28: {  	s2 =	sld [smem:$0x3FA4]  }
0x29: {  	s4 =	sld [smem:$0x3FA6]  }
0x2a: {  	p0 =	seq.s32 s5, $0x0;
	s5 =	sld [smem:$0x3FA7]  }
0x2b: {  	s6 =	sld [smem:$0x3FA8]  }
0x2c: {  	s7 =	sld [smem:$0x3FA9]  }
0x2d: {  	s3 =	simm.s32 $0x108;
	s8 =	sld [smem:$0x3FAA]  }
0x2e: {  	s3 =	simm.s32 @!p0 $0x1082;
	s9 =	sld [smem:$0x3FAB]  }
0x2f: {  	lr =	sadd.s32 s0, s3;
	s0 =	sld [smem:$0x3FA2]  }
0x30: {  	s3 =	sld [smem:$0x3FA5]  }
0x31: {  	[smem:$0x3FAE] =	sst s10  }
0x32: {  	s10 =	sld [smem:$0x3FAC];
	_ =	sdelay $0x3  }
0x33: {  	p0 =	seq.s32 s10, $0x1;
	s10 =	sld [smem:$0x3FAE];
	_ =	sdelay $0x3  }
0x34: {  	[smem:$0x3FAE] =	sst s10  }
0x35: {  	s10 =	sld [smem:$0x3FAD];
	_ =	sdelay $0x3  }
0x36: {  	p1 =	seq.s32 s10, $0x1;
	s10 =	sld [smem:$0x3FAE];
	_ =	sdelay $0x3  }
0x37: {  	[smem:$0x3FAE] =	sst s10  }
0x38: {  	s10 =	sld [smem:$0x3FAF]  }
0x39: {  	_ = 	snop;
	(pc) =	sbr.ind lr, $3  }
0x3a: {  	_ = 	snop  }
0x3b: {  	_ = 	snop  }
0x3c: {  	p2 =	seq.s32 s10, $0x1;
	s10 =	sld [smem:$0x3FAE]  }
0x3d: {  	_ =	shalt  }
0x3e: {  	_ =	shalt  }
0x3f: {  	_ =	shalt  }
0x40: {  	_ =	shalt  }
0x41: {  	_ =	shalt  }
0x42: {  	_ =	shalt  }
0x43: {  	_ =	shalt  }
0x44: {  	_ =	shalt  }
0x45: {  	_ =	shalt  }
0x46: {  	_ =	shalt  }
0x47: {  	_ =	shalt  }
0x48: {  	_ =	shalt  }
0x49: {  	_ =	shalt  }
0x4a: {  	_ =	shalt  }
0x4b: {  	_ =	shalt  }
0x4c: {  	_ =	shalt  }
0x4d: {  	_ =	shalt  }
0x4e: {  	_ =	shalt  }
0x4f: {  	_ =	shalt  }
0x50: {  	_ =	shalt  }
0x51: {  	_ =	shalt  }
0x52: {  	_ =	shalt  }
0x53: {  	_ =	shalt  }
0x54: {  	_ =	shalt  }
0x55: {  	_ =	shalt  }
0x56: {  	_ =	shalt  }
0x57: {  	_ =	shalt  }
0x58: {  	_ =	shalt  }
0x59: {  	_ =	shalt  }
0x5a: {  	_ =	shalt  }
0x5b: {  	_ =	shalt  }
0x5c: {  	_ =	shalt  }
0x5d: {  	_ =	shalt  }
0x5e: {  	_ =	shalt  }
0x5f: {  	_ =	shalt  }
0x60: {  	_ =	shalt  }
0x61: {  	_ =	shalt  }
0x62: {  	_ =	shalt  }
0x63: {  	_ =	shalt  }
0x64: {  	_ =	shalt  }
0x65: {  	_ =	shalt  }
0x66: {  	_ =	shalt  }
0x67: {  	_ =	shalt  }
0x68: {  	_ =	shalt  }
0x69: {  	_ =	shalt  }
0x6a: {  	_ =	shalt  }
0x6b: {  	_ =	shalt  }
0x6c: {  	_ =	shalt  }
0x6d: {  	_ =	shalt  }
0x6e: {  	_ =	shalt  }
0x6f: {  	_ =	shalt  }
0x70: {  	_ =	shalt  }
0x71: {  	_ =	shalt  }
0x72: {  	_ =	shalt  }
0x73: {  	_ =	shalt  }
0x74: {  	_ =	shalt  }
0x75: {  	_ =	shalt  }
0x76: {  	_ =	shalt  }
0x77: {  	_ =	shalt  }
0x78: {  	_ =	shalt  }
0x79: {  	_ =	shalt  }
0x7a: {  	_ =	shalt  }
0x7b: {  	_ =	shalt  }
0x7c: {  	_ =	shalt  }
0x7d: {  	_ =	shalt  }
0x7e: {  	_ =	shalt  }
0x7f: {  	_ =	shalt  }
0x80: {  	_ =	shalt  }
0x81: {  	_ =	shalt  }
0x82: {  	_ =	shalt  }
0x83: {  	_ =	shalt  }
0x84: {  	_ =	shalt  }
0x85: {  	_ =	shalt  }
0x86: {  	_ =	shalt  }
0x87: {  	_ =	shalt  }
.Lfunc_end0:
.L_simem_size_0:
called_computation.2_lowered:
.L_overlay_start_0:
0x88: {  	s2 =	sld [smem:$0x3FD9]  }
0x89: {  	s3 =	sld [smem:$0x3FFE];
	_ =	sdelay $0x1  }
0x8a: {  	s1 =	srdreg.scid  }
0x8b: {  	s0 =	sand.u32 $0x1, s1  }
0x8c: {  	s17 =	sshll.u32 s0, $0xA;
	s2 =	sadd.s32 s3, s2  }
0x8d: {  	s2 =	sadd.s32 s2, s17  }
0x8e: {  	[smem:$0x3FBA] =	sst s2  }
0x8f: {  	_ = 	snop  }
0x90: {  	(tm) =	ssettm $0x1  }
0x91: {  	s18 =	sld [smem:$0x3FFB];
	_ =	sdelay $0x3  }
0x92: {  	_ =	strace s18  }
0x93: {  	s2 =	sld [smem:$0x3FFC];
	_ =	sdelay $0x3  }
0x94: {  	_ =	strace s2  }
0x95: {  	s2 =	sld [smem:$0x3FFD];
	_ =	sdelay $0x3  }
0x96: {  	_ =	strace s2  }
0x97: {  	_ =	strace $0x8FFFFFFF  }
0x98: {  	s19 =	sld [smem:$0x3FDB];
	_ =	sdelay $0x1  }
0x99: {  	s20 =	simm.s32 $_scs_section_size  }
0x9a: {  	s4 =	simm.s32 $_size__tile_overlayer_lowered;
	s5 =	simm.s32 $_tile_overlayer_lowered  }
0x9b: {  	s6 =	simm.s32 $0x1BFF;
	s21 =	sshll.u32 s5, $0x1;
	s3 =	sadd.s32 s20, s19  }
0x9c: {  	s22 =	simm.s32 $0x0;
	s4 =	sshll.u32 s4, $0x1;
	s5 =	sadd.s32 s21, s3  }
0x9d: {  	[timem:s22], [sflag:s6] =	dma.local [hbm:s5], s4  }
0x9e: {  	_ =	swait.ge [sflag:s6], s4  }
0x9f: {  	s4 =	ssub.s32 $0x0, s4;
	[sflag:s6] =	ssyncset.done $0x0  }
0xa0: {  	[sflag:s6] =	ssyncadd.s32 s4;
	_ =	sdelay $0x1  }
0xa1: {  	s23 =	simm.s32 $0x1B8B  }
0xa2: {  	_ =	swait.ge [sflag:s23], $0x1  }
0xa3: {  	[sflag:s23] =	ssyncset.done $0x0  }
0xa4: {  	[sflag:s23] =	ssyncadd.s32 $0xFFFFFFFF  }
0xa5: {  	s4 =	sld [smem:$0x0]  }
0xa6: {  	s5 =	sand.u32 $0xFFFFFFFE, s1  }
0xa7: {  	p0 =	sne.s32 s1, s5  }
0xa8: {  	s5 =	sshll.u32 @p0 s5, $0xE  }
0xa9: {  	s5 =	sadd.s32 @p0 $0x11B8D, s5;
	s6 =	sshll.u32 @p0 s4, $0x11  }
0xaa: {  	s5 =	sor.u32 @p0 s6, s5  }
0xab: {  	[sflag:s5] =	ssyncadd.remote.s32 @p0 $0x1;
	_ =	sdelay $0x1  }
0xac: {  	s5 =	simm.s32 @p0 $0x1B8D  }
0xad: {  	_ =	swait.eq @p0 [sflag:s5], $0x1  }
0xae: {  	[sflag:s5] =	ssyncadd.s32 @p0 $0xFFFFFFFF  }
0xaf: {  	s6 =	sshll.u32 @!p0 s1, $0xE  }
0xb0: {  	s6 =	sor.u32 @!p0 $0x4000, s6;
	s5 =	simm.s32 @!p0 $0x1B8D  }
0xb1: {  	s4 =	sshll.u32 @!p0 s4, $0x11;
	s6 =	sadd.s32 @!p0 $0x11B8D, s6;
	_ =	swait.eq @!p0 [sflag:s5], $0x1  }
0xb2: {  	s4 =	sor.u32 @!p0 s4, s6;
	[sflag:s5] =	ssyncadd.s32 @!p0 $0xFFFFFFFF  }
0xb3: {  	s25 =	simm.s32 $0x1B8E;
	s24 =	sld [smem:$0x3FFE];
	[sflag:s4] =	ssyncadd.remote.s32 @!p0 $0x1  }
0xb4: {  	s26 =	simm.s32 $execute0_lowered;
	[smem:$0x3FD2] =	sst s25  }
0xb5: {  	s5 =	sshll.u32 s26, $0x1;
	_ =	strace $0x8000004F;
	[dreg:$0x1] =	wrdreg $0xFFFFFFFF  }
0xb6: {  	s28 =	simm.s32 $_size_execute0_lowered;
	s3 =	sadd.s32 s3, s5;
	[dreg:$0x0] =	wrdreg $0x0  }
0xb7: {  	s5 =	sshll.u32 s28, $0x1;
	[dreg:$0x2] =	wrdreg s3  }
0xb8: {  	[dreg:$0x3] =	wrdreg s5  }
0xb9: {  	[dreg:$0x4] =	wrdreg $0xC0  }
0xba: {  	_ =	task [dreg:s22], $0x5FFFF  }
0xbb: {  	[dreg:$0x1] =	wrdreg $0xFFFFFFFF  }
0xbc: {  	[dreg:$0x0] =	wrdreg $0x60  }
0xbd: {  	[dreg:$0x2] =	wrdreg s24  }
0xbe: {  	[dreg:$0x3] =	wrdreg $0x9  }
0xbf: {  	_ =	task.clear_ibuf [dreg:s22], $0x4FFFF;
	_ =	strace $0x9000004F  }
0xc0: {  	s29 =	simm.s32 $0x9;
	_ =	strace $0x80000051  }
0xc1: {  	_ =	swait.ge [sflag:s29], $0x1  }
0xc2: {  	[sflag:s29] =	ssyncadd.s32 $0xFFFFFFFF  }
0xc3: {  	_ =	strace $0x90000051  }
0xc4: {  	_ =	sfence  }
0xc5: {  	s30 =	sld [smem:$0x0];
	_ =	sdelay $0x2  }
0xc6: {  	s31 =	sshll.u32 s1, $0xD;
	s1 =	sshrl.u32 s1, $0x2  }
0xc7: {  	s4 =	sand.u32 $0x4000, s31;
	s1 =	sadd.s32 s1, s30  }
0xc8: {  	s0 =	sor.u32 s4, s0;
	s1 =	sshll.u32 s1, $0x11  }
0xc9: {  	s0 =	sor.u32 s1, s0  }
0xca: {  	s0 =	sadd.s32 $0x8F2B, s0  }
0xcb: {  	[sflag:s0] =	ssyncadd.remote.s32 $0x1  }
0xcc: {  	_ =	sfence.sel $0xFFFF  }
0xcd: {  	[dreg:$0x0] =	wrdreg $0xFFFFFFFF;
	(pc) =	sbr.abs _section_cstart, $3  }
0xce: {  	[dreg:$0x1] =	wrdreg $0xFFFFFFFF  }
0xcf: {  	_ =	task.clear_ibuf [dreg:s22], $0x2FFFF;
	_ =	strace $0x9FFFFFFF  }
0xd0: {  	(tm) =	ssettm $0x7FFFFFFF  }
0xd1: {  	_ =	shalt  }
tec
execute0_lowered:
.L_overlay_start_1:
0x0: {  	(tag) =	ssettag $0x1  }
0x1: {  	s7 =	rddreg [dreg:$0x0]  }
0x2: {  	s1 =	srdreg.scid;
	s0 =	rddreg [dreg:$0x1]  }
0x3: {  	_ =	strace $0x80000050;
	s3 =	simm.s32 $0x1;
	s5 =	simm.s32 $0x2  }
0x4: {  	s9 =	simm.s32 $0x3;
	s11 =	simm.s32 $0x0;
	s2 =	sshll.u32 s1, $0x4  }
.Ltmp0:
0x5: {  	s1 =	stileid.u32;
	s4 =	sand.u32 $0x10, s2;
	(pc) =	sbr.rel .LBB2_1-.Ltmp0, $4  }
0x6: {  	p0 =	por $0x0, $0x0;
	[sflag:s3] =	ssyncpa.u1 $0x0;
	s4 =	sor.u32 s1, s4  }
0x7: {  	s6 =	sadd.s32 $0x206400, s7;
	[sflag:s5] =	ssyncpa.u1 $0x0;
	s4 =	smul.u32 $0x500, s4  }
0x8: {  	s2 =	sadd.s32 $0x6400, s7;
	s7 =	sadd.s32 $0x207800, s7;
	[sflag:s9] =	ssyncpa.u1 $0x0  }
0x9: {  	vm0 =	vmmov $0xff;
	vm1 =	vcmask $0x3F20;
	s9 =	simm.s32 $0x0;
	s8 =	sadd.s32 $0x500, s4;
	s10 =	smov.u32 s4  }
.LBB2_6:
0xa: {  	[hbm:s15] =	stream.linear.scatter [tilespmem:s12], [sflag:$0x3], $0x400, $0x38;
	[tilespmem:$0x10200] =	vst v63  }
.LBB2_7:
0xb: {  	p1 =	slt.u32 s9, $0x2;
	s11 =	sadd.s32 $0x100, s10  }
0xc: {  	s13 =	smov.u32 s4;
	s9 =	sadd.s32 $0x1, s9;
	p2 =	slt.s32 s11, s8  }
0xd: {  	s13 =	smov.u32 @p2 s11;
	p2 =	sne.s32 s9, $0x7  }
.Ltmp1:
0xe: {  	_ = 	snop;
	(pc) =	sbr.rel @!p2 .LBB2_8-.Ltmp1, $4  }
0xf: {  	s12 =	simm.s32 @!p1 $0x3  }
0x10: {  	_ =	swait.ge @!p1 [sflag:s12], $0x8000  }
0x11: {  	p0 =	por !p0, !p0;
	[sflag:s12] =	ssyncset.done @!p1 $0x0  }
0x12: {  	s11 =	smov.u32 s10;
	s10 =	smov.u32 s13;
	[sflag:s12] =	ssyncadd.s32 @!p1 $0xFFFF8000  }
.LBB2_1:
0x13: {  	p1 =	sgt.u32 s9, $0x4  }
0x14: {  	s12 =	sxor.u32 @!p1 $0xFFFFFFFF, s9  }
0x15: {  	s31 =	sadd.s32 $0xFFFFFFFF, s9;
	s13 =	sshrl.u32 @!p1 s10, $0x3;
	s12 =	sshll.u32 @!p1 s12, $0x8  }
0x16: {  	s14 =	sand.u32 @!p1 $0x7, s10;
	s13 =	sadd.s32 @!p1 s6, s13;
	s12 =	sand.u32 @!p1 $0x100, s12  }
0x17: {  	[tilespmem:s12], [sflag:$0x2] =	stream.linear.gather @!p1 [hbm4b:s13+s14], $0x100, $0x38;
	[tilespmem:$0x10200] =	vst v63  }
0x18: {  	p1 =	sgt.u32 s31, $0x4  }
.Ltmp2:
0x19: {  	_ = 	snop;
	(pc) =	sbr.rel @p1 .LBB2_7-.Ltmp2, $1  }
0x1a: {  	_ =	sdelay $0x3  }
0x1b: {  	s12 =	simm.s32 $0x1  }
0x1c: {  	_ =	swait.ge [sflag:s5], $0x100;
	s12 =	simm.s32 @!p0 $0x0  }
0x1d: {  	[sflag:s5] =	ssyncset.done $0x0;
	s14 =	sshll.u32 s12, $0x8  }
0x1e: {  	[sflag:s5] =	ssyncadd.s32 $0xFFFFFF00;
	s13 =	sadd.s32 $0x0, s14  }
0x1f: {  	v0 =	vld.msk [tilespmem:s13+$0x0 ss:$0x1], $0xffff;
	_ =	sdelay $0x4  }
0x20: {  	vm2 =	vgt.s32 v0, $0x0  }
0x21: {  	v0 =	vnsel vm2, $0x0, v0  }
0x22: {  	v0 =	vmin.u32 v0, $0x1FFFF  }
0x23: {  	v0 =	vshll.u32 v0, $0x4;
	_ =	sdelay $0x2  }
0x24: {  	s12 =	sshll.u32 s12, $0xF  }
0x25: {  	s12 =	sor.u32 $0x200, s12  }
0x26: {  	[tilespmem:s12], [sflag:$0x1] =	stream.indirect_vreg.gather [hbm:s2], $0x80, v0, vm0, $0x38;
	[tilespmem:$0x10200] =	vst v63  }
0x27: {  	s15 =	sadd.s32 $0x10, s14;
	s13 =	sadd.s32 $0x400, s12  }
0x28: {  	[tilespmem:s13], [sflag:$0x1] =	stream.indirect_vreg.gather [hbm:s2], $0x80, v0, vm1, $0x38;
	[tilespmem:$0x10200] =	vst v63  }
0x29: {  	s16 =	simm.s32 $0x80;
	v0 =	vld.msk [tilespmem:s15+$0x0 ss:$0x1], $0xffff;
	s15 =	smov.u32 s12  }
.LBB2_3:
0x2a: {  	p1 =	sne.s32 s16, $0x3C0;
	_ =	sdelay $0x4  }
0x2b: {  	vm2 =	vgt.s32 v0, $0x0  }
0x2c: {  	v0 =	vnsel vm2, $0x0, v0  }
0x2d: {  	v0 =	vmin.u32 v0, $0x1FFFF  }
0x2e: {  	v0 =	vshll.u32 v0, $0x4;
	_ =	sdelay $0x3  }
.Ltmp3:
0x2f: {  	s17 =	sshra.s32 s16, $0x2;
	s15 =	sadd.s32 $0x800, s15;
	(pc) =	sbr.rel @p1 .LBB2_3-.Ltmp3, $4  }
0x30: {  	[tilespmem:s15], [sflag:$0x1] =	stream.indirect_vreg.gather [hbm:s2], $0x80, v0, vm0, $0x38;
	[tilespmem:$0x10200] =	vst v63  }
0x31: {  	s17 =	sadd.s32 s17, s14;
	s18 =	sadd.s32 $0x400, s15  }
0x32: {  	[tilespmem:s18], [sflag:$0x1] =	stream.indirect_vreg.gather [hbm:s2], $0x80, v0, vm1, $0x38;
	[tilespmem:$0x10200] =	vst v63  }
0x33: {  	s16 =	sadd.s32 $0x40, s16;
	v0 =	vld.msk [tilespmem:s17+$0x0 ss:$0x1], $0xffff  }
0x34: {  	_ =	sdelay $0x3  }
0x35: {  	vm2 =	vgt.s32 v0, $0x0  }
0x36: {  	v0 =	vnsel vm2, $0x0, v0  }
0x37: {  	v0 =	vmin.u32 v0, $0x1FFFF  }
0x38: {  	v0 =	vshll.u32 v0, $0x4;
	_ =	sdelay $0x3  }
0x39: {  	s14 =	sadd.s32 $0x800, s15  }
0x3a: {  	[tilespmem:s14], [sflag:$0x1] =	stream.indirect_vreg.gather [hbm:s2], $0x80, v0, vm0, $0x38;
	[tilespmem:$0x10200] =	vst v63  }
0x3b: {  	s14 =	sadd.s32 $0x400, s14  }
0x3c: {  	[tilespmem:s14], [sflag:$0x1] =	stream.indirect_vreg.gather [hbm:s2], $0x80, v0, vm1, $0x38;
	[tilespmem:$0x10200] =	vst v63  }
0x3d: {  	s11 =	sshll.u32 s11, $0x4;
	_ =	swait.ge [sflag:s3], $0x8000  }
0x3e: {  	s11 =	sadd.s32 s11, s7;
	[sflag:s3] =	ssyncset.done $0x0  }
0x3f: {  	s15 =	sadd.s32 $0x0, s11;
	s14 =	simm.s32 $0x80;
	[sflag:s3] =	ssyncadd.s32 $0xFFFF8000  }
.LBB2_5:
0x40: {  	[hbm:s15] =	stream.linear.scatter [tilespmem:s12], [sflag:$0x3], $0x400, $0x38;
	[tilespmem:$0x10200] =	vst v63  }
0x41: {  	s15 =	smov.u32 s14;
	s12 =	smov.u32 s13;
	p1 =	sne.s32 s14, $0xF80  }
.Ltmp4:
0x42: {  	s14 =	sadd.s32 $0x80, s14;
	(pc) =	sbr.rel @p1 .LBB2_5-.Ltmp4, $2  }
0x43: {  	_ =	sdelay $0x2  }
0x44: {  	s13 =	sadd.s32 $0x400, s13;
	s15 =	sadd.s32 s15, s11  }
.Ltmp5:
0x45: {  	_ = 	snop;
	(pc) =	sbr.rel .LBB2_6-.Ltmp5, $1  }
0x46: {  	_ =	sdelay $0x3  }
.LBB2_8:
0x47: {  	_ =	sfence.sel $0x180000  }
0x48: {  	s2 =	simm.s32 $0x2;
	[bflag:$0x0] =	sbarrier.arrive $0xFFFF  }
0x49: {  	s30 =	simm.s32 $0x3;
	[sflag:s2] =	ssyncpa.u1 $0x1  }
0x4a: {  	s31 =	simm.s32 $0x1;
	[sflag:s30] =	ssyncpa.u1 $0x1  }
0x4b: {  	[sflag:s31] =	ssyncpa.u1 $0x1  }
0x4c: {  	p0 =	sne.s32 s1, $0x0;
	_ =	strace $0x90000050  }
0x4d: {  	s0 =	sadd.s32 @!p0 $0x100000, s0;
	[bflag:$0x2] =	sbarrier.arrive $0xFFFF  }
0x4e: {  	[sflag:s0] =	ssyncadd.tile.s32 @!p0 $0x1;
	_ =	shalt  }
.Lfunc_end2:
_tile_overlayer_lowered:
.L_overlay_start_2:
0x4f: {  	(tag) =	ssettag $0x2  }
0x50: {  	s0 =	rddreg [dreg:$0x0];
	s2 =	stileid.u32  }
0x51: {  	s1 =	rddreg [dreg:$0x1];
	p0 =	sne.s32 s2, $0x0  }
0x52: {  	s3 =	rddreg [dreg:$0x2];
	[bflag:$0x3] =	sbarrier.arrive $0xFFFF;
	s2 =	simm.s32 @!p0 $0x1C01  }
0x53: {  	[timem:s3], [sflag:s2] =	dma.local @!p0 [hbm:s0], s1  }
0x54: {  	s0 =	simm.s32 @!p0 $0x1  }
0x55: {  	_ =	swait.ge @!p0 [sflag:s0], s1  }
0x56: {  	s1 =	ssub.s32 @!p0 $0x0, s1;
	[sflag:s0] =	ssyncset.done @!p0 $0x0  }
0x57: {  	[sflag:s0] =	ssyncadd.s32 @!p0 s1  }
0x58: {  	[bflag:$0x3] =	sbarrier.arrive $0xFFFF  }
0x59: {  	_ =	shalt  }

// kernel: scatter_offload_async_start.1
scs
__scs_entry_jumppad:
0x0: {  	(pc) =	sbr.rel $0x88, $3  }
0x1: {  	(tag) =	ssettag $0x0;
	lr =	simm.s32 $0x1  }
0x2: {  	[smem:$0x3F93] =	sst lr;
	_ =	strace $0xD0000000  }
0x3: {  	_ = 	snop  }
0x4: {  	_ = 	snop  }
0x5: {  	_ = 	snop  }
0x6: {  	_ = 	snop  }
0x7: {  	_ = 	snop  }
__scs_overlays_trampoline_lowered:
0x8: {  	[smem:$0x3FA2] =	sst s0  }
0x9: {  	[smem:$0x3FA3] =	sst s1  }
0xa: {  	[smem:$0x3FA4] =	sst s2  }
0xb: {  	[smem:$0x3FA5] =	sst s3  }
0xc: {  	[smem:$0x3FA6] =	sst s4  }
0xd: {  	[smem:$0x3FA7] =	sst s5  }
0xe: {  	[smem:$0x3FA8] =	sst s6  }
0xf: {  	[smem:$0x3FA9] =	sst s7  }
0x10: {  	[smem:$0x3FAA] =	sst s8  }
0x11: {  	[smem:$0x3FAB] =	sst s9;
	s0 =	simm.s32 @!p0 $0x0  }
0x12: {  	s1 =	sld [smem:$0x3F91];
	s0 =	simm.s32 @p0 $0x1  }
0x13: {  	[smem:$0x3FAC] =	sst s0;
	s0 =	simm.s32 @!p1 $0x0  }
0x14: {  	s2 =	sld [smem:$0x3F90];
	s0 =	simm.s32 @p1 $0x1  }
0x15: {  	[smem:$0x3FAD] =	sst s0;
	s0 =	simm.s32 @!p2 $0x0  }
0x16: {  	s3 =	sld [smem:$0x3FDB];
	s0 =	simm.s32 @p2 $0x1  }
0x17: {  	s4 =	simm.s32 $0x1BF5;
	[smem:$0x3FAF] =	sst s0  }
0x18: {  	s0 =	sld [smem:$0x3F92];
	_ =	swait.ge [sflag:s4], $0x0  }
0x19: {  	s7 =	sld [smem:$0x3F93]  }
0x1a: {  	s8 =	sadd.s32 $0xFFFFE003, lr  }
0x1b: {  	s9 =	sadd.s32 $0xFFFFFEF7, lr;
	s5 =	simm.s32 $0xFFFFFFFF;
	p2 =	slt.u32 s8, $0xFFFFF086  }
0x1c: {  	p1 =	slt.u32 s9, $0xF7A;
	s5 =	simm.s32 @!p2 $0x0  }
0x1d: {  	s5 =	simm.s32 @p1 $0x1;
	p0 =	seq.s32 s7, s2  }
0x1e: {  	s7 =	smul.u32 @!p0 $0xF7A, s2;
	p2 =	seq.s32 @!p0 s5, $0x0  }
0x1f: {  	s9 =	smul.u32 $0xF7A, s1;
	s8 =	simm.s32 @!p0 $0x1BF5;
	p2 =	por !p2, p0  }
0x20: {  	[sflag:s8] =	ssyncset.s32 @!p0 $0xFFFFF086;
	s6 =	sadd.s32 @!p0 s3, s7;
	s7 =	simm.s32 @!p0 $0x108  }
0x21: {  	s3 =	sadd.s32 s3, s9;
	s6 =	sadd.s32 @!p0 $0x88, s6;
	s7 =	simm.s32 @p2 $0x1082  }
0x22: {  	[simem:s7], [sflag:s8] =	dma.local @!p0 [hbm:s6], $0xF7A  }
0x23: {  	s9 =	sor.u32 $0xD0000000, s2;
	s6 =	simm.s32 $0x108;
	_ =	swait.ge @!p0 [sflag:s8], $0x0  }
0x24: {  	s3 =	sadd.s32 $0x88, s3;
	s6 =	simm.s32 @!p1 $0x1082;
	[sflag:s4] =	ssyncset.s32 $0xFFFFF086  }
0x25: {  	[simem:s6], [sflag:s4] =	dma.local [hbm:s3], $0xF7A  }
0x26: {  	[smem:$0x3F93] =	sst s1;
	(tag) =	ssettag s2;
	_ =	strace s9  }
0x27: {  	s1 =	sld [smem:$0x3FA3]  }
0x28: {  	s2 =	sld [smem:$0x3FA4]  }
0x29: {  	s4 =	sld [smem:$0x3FA6]  }
0x2a: {  	p0 =	seq.s32 s5, $0x0;
	s5 =	sld [smem:$0x3FA7]  }
0x2b: {  	s6 =	sld [smem:$0x3FA8]  }
0x2c: {  	s7 =	sld [smem:$0x3FA9]  }
0x2d: {  	s3 =	simm.s32 $0x108;
	s8 =	sld [smem:$0x3FAA]  }
0x2e: {  	s3 =	simm.s32 @!p0 $0x1082;
	s9 =	sld [smem:$0x3FAB]  }
0x2f: {  	lr =	sadd.s32 s0, s3;
	s0 =	sld [smem:$0x3FA2]  }
0x30: {  	s3 =	sld [smem:$0x3FA5]  }
0x31: {  	[smem:$0x3FAE] =	sst s10  }
0x32: {  	s10 =	sld [smem:$0x3FAC];
	_ =	sdelay $0x3  }
0x33: {  	p0 =	seq.s32 s10, $0x1;
	s10 =	sld [smem:$0x3FAE];
	_ =	sdelay $0x3  }
0x34: {  	[smem:$0x3FAE] =	sst s10  }
0x35: {  	s10 =	sld [smem:$0x3FAD];
	_ =	sdelay $0x3  }
0x36: {  	p1 =	seq.s32 s10, $0x1;
	s10 =	sld [smem:$0x3FAE];
	_ =	sdelay $0x3  }
0x37: {  	[smem:$0x3FAE] =	sst s10  }
0x38: {  	s10 =	sld [smem:$0x3FAF]  }
0x39: {  	_ = 	snop;
	(pc) =	sbr.ind lr, $3  }
0x3a: {  	_ = 	snop  }
0x3b: {  	_ = 	snop  }
0x3c: {  	p2 =	seq.s32 s10, $0x1;
	s10 =	sld [smem:$0x3FAE]  }
0x3d: {  	_ =	shalt  }
0x3e: {  	_ =	shalt  }
0x3f: {  	_ =	shalt  }
0x40: {  	_ =	shalt  }
0x41: {  	_ =	shalt  }
0x42: {  	_ =	shalt  }
0x43: {  	_ =	shalt  }
0x44: {  	_ =	shalt  }
0x45: {  	_ =	shalt  }
0x46: {  	_ =	shalt  }
0x47: {  	_ =	shalt  }
0x48: {  	_ =	shalt  }
0x49: {  	_ =	shalt  }
0x4a: {  	_ =	shalt  }
0x4b: {  	_ =	shalt  }
0x4c: {  	_ =	shalt  }
0x4d: {  	_ =	shalt  }
0x4e: {  	_ =	shalt  }
0x4f: {  	_ =	shalt  }
0x50: {  	_ =	shalt  }
0x51: {  	_ =	shalt  }
0x52: {  	_ =	shalt  }
0x53: {  	_ =	shalt  }
0x54: {  	_ =	shalt  }
0x55: {  	_ =	shalt  }
0x56: {  	_ =	shalt  }
0x57: {  	_ =	shalt  }
0x58: {  	_ =	shalt  }
0x59: {  	_ =	shalt  }
0x5a: {  	_ =	shalt  }
0x5b: {  	_ =	shalt  }
0x5c: {  	_ =	shalt  }
0x5d: {  	_ =	shalt  }
0x5e: {  	_ =	shalt  }
0x5f: {  	_ =	shalt  }
0x60: {  	_ =	shalt  }
0x61: {  	_ =	shalt  }
0x62: {  	_ =	shalt  }
0x63: {  	_ =	shalt  }
0x64: {  	_ =	shalt  }
0x65: {  	_ =	shalt  }
0x66: {  	_ =	shalt  }
0x67: {  	_ =	shalt  }
0x68: {  	_ =	shalt  }
0x69: {  	_ =	shalt  }
0x6a: {  	_ =	shalt  }
0x6b: {  	_ =	shalt  }
0x6c: {  	_ =	shalt  }
0x6d: {  	_ =	shalt  }
0x6e: {  	_ =	shalt  }
0x6f: {  	_ =	shalt  }
0x70: {  	_ =	shalt  }
0x71: {  	_ =	shalt  }
0x72: {  	_ =	shalt  }
0x73: {  	_ =	shalt  }
0x74: {  	_ =	shalt  }
0x75: {  	_ =	shalt  }
0x76: {  	_ =	shalt  }
0x77: {  	_ =	shalt  }
0x78: {  	_ =	shalt  }
0x79: {  	_ =	shalt  }
0x7a: {  	_ =	shalt  }
0x7b: {  	_ =	shalt  }
0x7c: {  	_ =	shalt  }
0x7d: {  	_ =	shalt  }
0x7e: {  	_ =	shalt  }
0x7f: {  	_ =	shalt  }
0x80: {  	_ =	shalt  }
0x81: {  	_ =	shalt  }
0x82: {  	_ =	shalt  }
0x83: {  	_ =	shalt  }
0x84: {  	_ =	shalt  }
0x85: {  	_ =	shalt  }
0x86: {  	_ =	shalt  }
0x87: {  	_ =	shalt  }
.Lfunc_end0:
.L_simem_size_0:
called_computation.1_lowered:
.L_overlay_start_0:
0x88: {  	s0 =	sld [smem:$0x3FD9]  }
0x89: {  	s1 =	sld [smem:$0x3FFE];
	_ =	sdelay $0x3  }
0x8a: {  	s0 =	sadd.s32 s1, s0  }
0x8b: {  	[smem:$0x3FBA] =	sst s0  }
0x8c: {  	_ = 	snop  }
0x8d: {  	s0 =	sld [smem:$0x3FD0];
	_ =	sdelay $0x2  }
0x8e: {  	s13 =	simm.s32 $0xB;
	s2 =	simm.s32 $0x10  }
0x8f: {  	[smem:s2], [sflag:s13] =	dma.local [hbm:s0], $0x1  }
0x90: {  	_ =	swait.eq [sflag:s13], $0x1  }
0x91: {  	[sflag:s13] =	ssyncset.done $0x0  }
0x92: {  	[sflag:s13] =	ssyncadd.s32 $0xFFFFFFFF  }
0x93: {  	s14 =	sld [smem:$0x10];
	(tm) =	ssettm $0x1  }
0x94: {  	s15 =	sld [smem:$0x3FFB];
	_ =	sdelay $0x3  }
0x95: {  	_ =	strace s15  }
0x96: {  	s1 =	sld [smem:$0x3FFC];
	_ =	sdelay $0x3  }
0x97: {  	_ =	strace s1  }
0x98: {  	s1 =	sld [smem:$0x3FFD];
	_ =	sdelay $0x3  }
0x99: {  	_ =	strace s1  }
0x9a: {  	_ =	strace $0x8FFFFFFF  }
0x9b: {  	s16 =	sld [smem:$0x3FDB];
	_ =	sdelay $0x1  }
0x9c: {  	s17 =	simm.s32 $_scs_section_size  }
0x9d: {  	s3 =	simm.s32 $_size__tile_overlayer_lowered;
	s4 =	simm.s32 $_tile_overlayer_lowered  }
0x9e: {  	s20 =	simm.s32 $0x1BFF;
	s19 =	sshll.u32 s4, $0x1;
	s1 =	sadd.s32 s17, s16  }
0x9f: {  	s5 =	simm.s32 $0x0;
	s18 =	sshll.u32 s3, $0x1;
	s3 =	sadd.s32 s19, s1  }
0xa0: {  	[timem:s5], [sflag:s20] =	dma.local [hbm:s3], s18  }
0xa1: {  	_ =	swait.ge [sflag:s20], s18  }
0xa2: {  	s2 =	ssub.s32 $0x0, s18;
	[sflag:s20] =	ssyncset.done $0x0  }
0xa3: {  	[sflag:s20] =	ssyncadd.s32 s2;
	_ =	sdelay $0x1  }
0xa4: {  	s21 =	simm.s32 $0x1B8B  }
0xa5: {  	_ =	swait.ge [sflag:s21], $0x1  }
0xa6: {  	[sflag:s21] =	ssyncset.done $0x0  }
0xa7: {  	s23 =	simm.s32 $0x1B8E;
	s22 =	sld [smem:$0x3FFE];
	[sflag:s21] =	ssyncadd.s32 $0xFFFFFFFF  }
0xa8: {  	s24 =	simm.s32 $execute0_lowered;
	[smem:$0x3FD2] =	sst s23  }
0xa9: {  	s3 =	sshll.u32 s24, $0x1;
	_ =	strace $0x80000046;
	[dreg:$0x1] =	wrdreg $0xFFFFFFFF  }
0xaa: {  	s25 =	simm.s32 $_size_execute0_lowered;
	s1 =	sadd.s32 s1, s3;
	[dreg:$0x0] =	wrdreg $0x0  }
0xab: {  	s3 =	sshll.u32 s25, $0x1;
	[dreg:$0x2] =	wrdreg s1  }
0xac: {  	[dreg:$0x3] =	wrdreg s3  }
0xad: {  	[dreg:$0x4] =	wrdreg $0xC0  }
0xae: {  	_ =	task [dreg:s5], $0x5FFFF  }
0xaf: {  	[dreg:$0x1] =	wrdreg $0xFFFFFFFF  }
0xb0: {  	[dreg:$0x0] =	wrdreg $0x60  }
0xb1: {  	[dreg:$0x2] =	wrdreg s14  }
0xb2: {  	[dreg:$0x3] =	wrdreg s22  }
0xb3: {  	[dreg:$0x4] =	wrdreg $0xA  }
0xb4: {  	_ =	task.clear_ibuf [dreg:s5], $0x5FFFF;
	_ =	strace $0x90000046  }
0xb5: {  	s26 =	simm.s32 $0xA;
	_ =	strace $0x80000048  }
0xb6: {  	_ =	swait.ge [sflag:s26], $0x1  }
0xb7: {  	[sflag:s26] =	ssyncadd.s32 $0xFFFFFFFF  }
0xb8: {  	_ =	strace $0x90000048  }
0xb9: {  	_ =	sfence  }
0xba: {  	s28 =	sld [smem:$0x0];
	_ =	sdelay $0x1  }
0xbb: {  	s29 =	srdreg.scid  }
0xbc: {  	s30 =	sshll.u32 s29, $0xD;
	s31 =	sshrl.u32 s29, $0x2  }
0xbd: {  	s2 =	sand.u32 $0x4000, s30;
	s1 =	sand.u32 $0x1, s29;
	s0 =	sadd.s32 s31, s28  }
0xbe: {  	s1 =	sor.u32 s2, s1;
	s0 =	sshll.u32 s0, $0x11  }
0xbf: {  	s0 =	sor.u32 s0, s1  }
0xc0: {  	s0 =	sadd.s32 $0x8F2B, s0  }
0xc1: {  	[sflag:s0] =	ssyncadd.remote.s32 $0x1  }
0xc2: {  	_ =	sfence.sel $0xFFFF  }
0xc3: {  	[dreg:$0x0] =	wrdreg $0xFFFFFFFF;
	(pc) =	sbr.abs _section_cstart, $3  }
0xc4: {  	[dreg:$0x1] =	wrdreg $0xFFFFFFFF  }
0xc5: {  	_ =	task.clear_ibuf [dreg:s5], $0x2FFFF;
	_ =	strace $0x9FFFFFFF  }
0xc6: {  	(tm) =	ssettm $0x7FFFFFFF  }
0xc7: {  	_ =	shalt  }
tec
execute0_lowered:
.L_overlay_start_1:
0x0: {  	(tag) =	ssettag $0x1  }
0x1: {  	s1 =	rddreg [dreg:$0x0]  }
0x2: {  	s0 =	rddreg [dreg:$0x1];
	_ =	strace $0x80000047;
	s3 =	simm.s32 $0x1  }
0x3: {  	v1 =	vimm.s32 $0xFFFFFFFF;
	[sflag:s3] =	ssyncpa.u1 $0x0  }
0x4: {  	[tilespmem:$0x10] =	vst v1  }
0x5: {  	v0 =	vimm.f32 $0.0e+00;
	[tilespmem:$0x20] =	vst v1  }
0x6: {  	[tilespmem:$0x30] =	vst v0  }
0x7: {  	s2 =	simm.s32 $0x2;
	s26 =	stileid.u32;
	[tilespmem:$0x40] =	vst v0  }
0x8: {  	s5 =	simm.s32 $0x7;
	s7 =	simm.s32 $0x8;
	s31 =	simm.s32 $0x9;
	[tilespmem:$0x50] =	vst v0  }
0x9: {  	s14 =	simm.s32 $0x0;
	s15 =	simm.s32 $0x100;
	s18 =	simm.s32 $0x10;
	[tilespmem:$0x60] =	vst v1  }
0xa: {  	s19 =	simm.s32 $0x5B00;
	s20 =	simm.s32 $0xF;
	s21 =	simm.s32 $0x50;
	[tilespmem:$0x70] =	vst v1  }
0xb: {  	s22 =	simm.s32 $0x28FF;
	s23 =	simm.s32 $0x20;
	s24 =	simm.s32 $0x30;
	[tilespmem:$0x80] =	vst v1  }
0xc: {  	s25 =	simm.s32 $0x50FF;
	s30 =	simm.s32 $0x0;
	s6 =	smul.u32 $0xA00, s26;
	v1 =	vimm.s32 $0x0;
	[tilespmem:$0xB0] =	vst v0  }
.Ltmp0:
0xd: {  	s29 =	simm.s32 $0x0;
	s4 =	sadd.s32 $0x3C00, s0;
	[tilespmem:$0x90] =	vst v1;
	(pc) =	sbr.rel .LBB2_1-.Ltmp0, $4  }
0xe: {  	s8 =	sadd.s32 $0x5000, s0;
	s10 =	sshll.u32 s26, $0x1;
	[tilespmem:$0xA0] =	vst v1;
	[sflag:s2] =	ssyncpa.u1 $0x0  }
0xf: {  	s12 =	sshllo.u32 s26, $0x1;
	s26 =	simm.s32 $0x80;
	[sflag:s5] =	ssyncpa.u1 $0x0  }
0x10: {  	vm0 =	vmmov $0xffff;
	v2 =	vlaneseq.u32;
	s11 =	sor.u32 $0x81, s10;
	s13 =	sor.u32 $0x80, s10;
	[sflag:s7] =	ssyncpa.u1 $0x0  }
0x11: {  	vm1 =	vmxor vm1, vm1;
	vm2 =	vmmov $0x1;
	vm3 =	vcmask $0x3F3C;
	s9 =	sadd.s32 $0xA00, s6;
	s28 =	smov.u32 s6;
	[sflag:s31] =	ssyncpa.u1 $0x0  }
.LBB2_3:
0x12: {  	s0 =	sshrl.u32 s28, $0x3  }
0x13: {  	s2 =	sand.u32 $0x7, s28;
	s0 =	sadd.s32 s4, s0  }
0x14: {  	[tilespmem:s15], [sflag:$0x7] =	stream.linear.gather [hbm4b:s0+s2], $0xA00, $0x38;
	[tilespmem:$0x5B20] =	vst v63  }
.LBB2_4:
0x15: {  	s0 =	sadd.s32 $0xA00, s28  }
0x16: {  	s2 =	smov.u32 s6;
	s29 =	sadd.s32 $0x1, s29;
	p0 =	slt.s32 s0, s9  }
0x17: {  	s2 =	smov.u32 @p0 s0;
	p0 =	sne.s32 s29, $0x4  }
.Ltmp1:
0x18: {  	_ = 	snop;
	(pc) =	sbr.rel @!p0 .LBB2_13-.Ltmp1, $2  }
0x19: {  	_ =	sdelay $0x2  }
0x1a: {  	s30 =	smov.u32 s28;
	s28 =	smov.u32 s2  }
.LBB2_1:
0x1b: {  	p0 =	sgt.s32 s29, $0x1  }
.Ltmp2:
0x1c: {  	_ = 	snop;
	(pc) =	sbr.rel @p0 .LBB2_11-.Ltmp2, $1  }
0x1d: {  	_ =	sdelay $0x3  }
0x1e: {  	p0 =	seq.s32 s29, $0x0  }
.Ltmp3:
0x1f: {  	_ = 	snop;
	(pc) =	sbr.rel @p0 .LBB2_3-.Ltmp3, $1  }
0x20: {  	_ =	sdelay $0x3  }
0x21: {  	_ =	swait.ge [sflag:s5], $0xA00  }
0x22: {  	[sflag:s5] =	ssyncset.done $0x0  }
0x23: {  	[sflag:s5] =	ssyncadd.s32 $0xFFFFF600;
	(ifvalue) =	ssetifvalue $0xFFFFFFFF;
	v3 =	vld.msk [tilespmem:s15+$0x0 ss:$0x1], $0xffff;
	_ =	sdelay $0x4  }
0x24: {  	v4 =	vperm.xlane v3, v1  }
0x25: {  	vm4 =	vlt.u32 v3, $0x20000  }
0x26: {  	v3 =	vnsel vm4, $0xFFFFFFFE, v3;
	vm4 =	vlt.u32 v4, $0x20000  }
0x27: {  	[tilespmem:$0x70] =	vst v3;
	v3 =	vnsel vm4, $0xFFFFFFFE, v4  }
0x28: {  	s17 =	simm.s32 $0xAF0;
	[tilespmem:$0x80] =	vst v3  }
0x29: {  	v3 =	vld.msk [tilespmem:s17+$0x0 ss:$0x1], $0xffff;
	_ =	sdelay $0x4  }
0x2a: {  	(xrf1) =	vunique.msk.u32 $0xffff, v3;
	_ =	sdelay $0xd  }
0x2b: {  	v4 =	vimm.s32 $0xFFFFFFFF;
	v5, _, _ =	vpop (xrf1)  }
0x2c: {  	vm5 =	vne.s32 v3, v4;
	vm4 =	veq.s32 v5, v2  }
0x2d: {  	vm6 =	vlt.u32 v3, $0x20000;
	vm4 =	vmand vm5, vm4  }
0x2e: {  	vm4 =	vmand vm6, vm4  }
0x2f: {  	v4 =	vnsel vm4, $0xFFFFFFFF, v3;
	_ =	sdelay $0x3  }
0x30: {  	s0 =	simm.s32 $0x28F0;
	(ifvalue) =	ssetifvalue $0xFFFFFFFF  }
0x31: {  	v3 =	vperm.xlane v3, v1;
	[tilespmem:s0], [sflag:$0x8] =	stream.indirect_vreg.gather [hbm4b:s1+s14], $0x1, v4, vm0, $0x4038;
	v4 =	vnsel vm6, $0xFFFFFFFE, v4;
	[tilespmem:$0x5B20] =	vst v63  }
0x32: {  	s2 =	simm.s32 $0x0;
	s16 =	simm.s32 $0xAE0;
	[tilespmem:s17+$0x0] =	vst v4  }
.LBB2_6:
0x33: {  	v4 =	vld.msk [tilespmem:s16+$0x0 ss:$0x1], $0xffff;
	s2 =	sadd.s32 $0x10, s2;
	v5 =	vmov v3;
	s17 =	smov.u32 s16  }
0x34: {  	p0 =	slt.u32 s2, $0x9F0;
	_ =	sdelay $0x4  }
0x35: {  	v3 =	vperm.xlane v4, v1;
	(xrf1) =	vunique.msk.u32 $0xffff, v4;
	_ =	sdelay $0xd  }
0x36: {  	v6, _, _ =	vpop (xrf1)  }
0x37: {  	vm5 =	vne.s32 v4, v5;
	vm4 =	veq.s32 v6, v2  }
0x38: {  	vm6 =	vlt.u32 v4, $0x20000;
	vm4 =	vmand vm5, vm4  }
0x39: {  	vm4 =	vmand vm6, vm4  }
0x3a: {  	v4 =	vnsel vm4, $0xFFFFFFFF, v4  }
.Ltmp4:
0x3b: {  	v5 =	vnsel vm6, $0xFFFFFFFE, v4;
	(pc) =	sbr.rel @p0 .LBB2_6-.Ltmp4, $3  }
0x3c: {  	_ =	sdelay $0x1  }
0x3d: {  	s16 =	sadd.s32 $0xFFFFFFF0, s16;
	s0 =	sadd.s32 $0xFFFFFFF0, s0;
	(ifvalue) =	ssetifvalue $0xFFFFFFFF  }
0x3e: {  	[tilespmem:s0], [sflag:$0x8] =	stream.indirect_vreg.gather [hbm4b:s1+s14], $0x1, v4, vm0, $0x4038;
	[tilespmem:s17+$0x0] =	vst v5  }
.Ltmp5:
0x3f: {  	(pc) =	sbr.rel .LBB2_4-.Ltmp5, $4  }
0x40: {  	_ = 	snop  }
0x41: {  	s0 =	sshrl.u32 s30, $0x3  }
0x42: {  	s2 =	simm.s32 $0x3300;
	s0 =	sadd.s32 s8, s0  }
0x43: {  	[tilespmem:s2], [sflag:$0x8] =	stream.linear.gather [hbm:s0], $0xA00, $0x38;
	[tilespmem:$0x5B20] =	vst v63  }
.LBB2_11:
0x44: {  	p0 =	seq.s32 s29, $0x2  }
.Ltmp6:
0x45: {  	_ = 	snop;
	(pc) =	sbr.rel @!p0 .LBB2_12-.Ltmp6, $1  }
0x46: {  	_ =	sdelay $0x3  }
0x47: {  	_ =	swait.ge [sflag:s7], $0x1400  }
0x48: {  	[sflag:s7] =	ssyncset.done $0x0  }
0x49: {  	s0 =	simm.s32 $0xAFF;
	[sflag:s7] =	ssyncadd.s32 $0xFFFFEC00  }
0x4a: {  	[spmem:s11] =	stream.linear.scatter [tilespmem:s0], [sflag:$0x1], $0x1, $0x38;
	[tilespmem:$0x5B20] =	vst v63  }
0x4b: {  	_ =	swait.ge [sflag:s3], $0x1  }
0x4c: {  	[sflag:s3] =	ssyncset.done $0x0  }
0x4d: {  	[sflag:s3] =	ssyncadd.s32 $0xFFFFFFFF  }
0x4e: {  	v4 =	vld [tilespmem:$0x10]  }
0x4f: {  	v5 =	vld [tilespmem:$0x70]  }
0x50: {  	v3 =	vld [tilespmem:$0x80];
	_ =	sdelay $0x2  }
0x51: {  	(v2sf) =	vpush v4, $0x0  }
0x52: {  	(v2sf) =	vpush v5, $0x0  }
0x53: {  	(v2sf) =	vpush v3, $0x0;
	_ =	sdelay $0xc  }
0x54: {  	s16 =	spop (v2sf)  }
0x55: {  	s2 =	spop (v2sf)  }
0x56: {  	s30 =	spop (v2sf)  }
0x57: {  	p0 =	seq.s32 s16, s2;
	p1 =	seq.s32 s30, s16  }
0x58: {  	p1 =	por p0, p1  }
0x59: {  	v4 =	vpsel p1, $0xFFFFFFFF, v4  }
0x5a: {  	[tilespmem:s18+$0x0] =	vst.msk $0x1, v4  }
0x5b: {  	v4 =	vld [tilespmem:$0x30]  }
0x5c: {  	v5 =	vld [tilespmem:$0x3300]  }
0x5d: {  	v6 =	vld [tilespmem:$0x40];
	_ =	sdelay $0x3  }
0x5e: {  	vm4 =	vmmov vm1;
	v5 =	vadd.f32 v5, v4  }
0x5f: {  	vm5 =	vmmov vm2;
	s31 =	simm.s32 $0x3300;
	vm4 =	vmmov @p0 vm2;
	v4 =	vadd.f32 v6, v4  }
0x60: {  	vm5 =	vmmov @p1 vm1;
	[tilespmem:s31+$0x0] =	vst.msk vm4, v5  }
0x61: {  	[tilespmem:s19+$0x0] =	vst.msk vm5, v4  }
0x62: {  	v4 =	vld [tilespmem:$0x28F0];
	_ =	sdelay $0x3  }
0x63: {  	v5 =	vimm.f32 $0.0e+00  }
0x64: {  	v4 =	vshift.insert v4, v5, s20;
	_ =	sdelay $0x1  }
0x65: {  	[tilespmem:s21+$0x0] =	vst.msk $0x1, v4  }
0x66: {  	[tilespmem:s22+$0x0] =	vst.msk $0x1, v5  }
0x67: {  	v4 =	vld [tilespmem:$0xAF0];
	_ =	sdelay $0x4  }
0x68: {  	v4 =	vshift.insert v4, v1, s20;
	_ =	sdelay $0x1  }
0x69: {  	[tilespmem:s23+$0x0] =	vst.msk $0x1, v4  }
0x6a: {  	s17 =	simm.s32 $0x100;
	v6 =	vld [tilespmem:s31+$0x0]  }
0x6b: {  	v7 =	vld [tilespmem:s17+$0x0];
	_ =	sdelay $0x3  }
0x6c: {  	v5 =	vadd.f32 v6, v5  }
0x6d: {  	vm4 =	vne.s32 v7, $0xFFFFFFFF  }
0x6e: {  	(xrf2) =	vadd.seg.scan.f32 vm4, v5;
	_ =	sdelay $0x3  }
0x6f: {  	s0 =	simm.s32 $0x1F00;
	v5 =	vperm.xlane v4, v1  }
0x70: {  	v6 =	vld [tilespmem:s0+$0x0]  }
0x71: {  	vm5 =	veq.s32 v7, v3;
	vm6 =	veq.s32 v7, v5  }
0x72: {  	vm7 =	vgt.u32 v7, $0xFFFFFFFD;
	vm6 =	vmor vm6, vm5  }
0x73: {  	vm6 =	vmor vm6, vm7  }
0x74: {  	v9 =	vld [tilespmem:$0xA0];
	v7 =	vsel vm6, $0xFFFFFFFF, v7  }
0x75: {  	v10 =	vld [tilespmem:$0x90];
	v6 =	vsel vm5, $0x0, v6;
	v8, _, _ =	vpop (xrf2)  }
0x76: {  	v6 =	vadd.f32 v8, v6  }
0x77: {  	s2 =	simm.s32 $0x4700  }
0x78: {  	vm4 =	vmand vm4, vm3;
	[tilespmem:s2+$0x0] =	vst v6;
	(ifvalue) =	ssetifvalue $0xFFFFFFFF  }
0x79: {  	vm6 =	veq.s32 v9, $0x1;
	[hbm4b:s1+s14] =	stream.indirect_vreg.scatter [tilespmem:s2], [sflag:$0x2], $0x1, v7, vm0, $0x4038;
	v7 =	vsel vm4, $0x0, v8;
	[tilespmem:$0x5B20] =	vst v63  }
0x7a: {  	s16 =	simm.s32 $0x0;
	s17 =	simm.s32 $0x110;
	vm4 =	vmor vm6, vm5;
	v6 =	vsel vm5, v8, v10;
	v7 =	vshift.insert v7, v0, s20  }
.LBB2_9:
0x7b: {  	v8 =	vld [tilespmem:s17+$0x0];
	s31 =	sadd.s32 $0x10, s31  }
0x7c: {  	s0 =	sadd.s32 $0x10, s0;
	v9 =	vld [tilespmem:s31+$0x0]  }
0x7d: {  	s16 =	sadd.s32 $0x10, s16;
	v10 =	vld [tilespmem:s0+$0x0]  }
0x7e: {  	p0 =	slt.u32 s16, $0x9F0;
	_ =	sdelay $0x2  }
0x7f: {  	v7 =	vadd.f32 v9, v7  }
0x80: {  	vm5 =	vne.s32 v8, $0xFFFFFFFF  }
0x81: {  	vm6 =	vmand vm5, vm3;
	(xrf2) =	vadd.seg.scan.f32 vm5, v7;
	_ =	sdelay $0x5  }
0x82: {  	vm7 =	veq.s32 v8, v5;
	vm5 =	veq.s32 v8, v3  }
0x83: {  	vm8 =	vgt.u32 v8, $0xFFFFFFFD;
	vm4 =	vmor vm4, vm5;
	vm7 =	vmor vm7, vm5  }
0x84: {  	vm7 =	vmor vm7, vm8  }
0x85: {  	v8 =	vsel vm7, $0xFFFFFFFF, v8  }
.Ltmp7:
0x86: {  	v7 =	vsel vm5, $0x0, v10;
	v9, _, _ =	vpop (xrf2);
	(pc) =	sbr.rel @p0 .LBB2_9-.Ltmp7, $4  }
0x87: {  	v6 =	vsel vm5, v9, v6;
	v10 =	vadd.f32 v9, v7;
	v7 =	vsel vm6, $0x0, v9  }
0x88: {  	s2 =	sadd.s32 $0x10, s2;
	v7 =	vshift.insert v7, v0, s20  }
0x89: {  	s17 =	sadd.s32 $0x10, s17;
	[tilespmem:s2+$0x0] =	vst v10;
	(ifvalue) =	ssetifvalue $0xFFFFFFFF  }
0x8a: {  	[hbm4b:s1+s14] =	stream.indirect_vreg.scatter [tilespmem:s2], [sflag:$0x2], $0x1, v8, vm0, $0x4038;
	[tilespmem:$0x5B20] =	vst v63  }
0x8b: {  	v3 =	vld [tilespmem:$0x50F0];
	_ =	sdelay $0x4  }
0x8c: {  	v3 =	vshift.insert v3, v0, s20;
	_ =	sdelay $0x1  }
0x8d: {  	[tilespmem:s24+$0x0] =	vst.msk $0x1, v3  }
0x8e: {  	v3 =	vsel vm4, $0x1, v1;
	[tilespmem:$0x90] =	vst v6  }
0x8f: {  	[tilespmem:$0xA0] =	vst v3  }
0x90: {  	[spmem:s12] =	stream.linear.scatter [tilespmem:s25], [sflag:$0x1], $0x1, $0x38;
	[tilespmem:$0x5B20] =	vst v63  }
0x91: {  	v3 =	vmctz.xlane vm4;
	_ =	swait.ge [sflag:s3], $0x1  }
0x92: {  	(v2sf) =	vpush v4, $0x0  }
0x93: {  	(v2sf) =	vpush v3, $0x0;
	_ =	sdelay $0xd  }
0x94: {  	s0 =	spop (v2sf)  }
0x95: {  	s2 =	spop (v2sf)  }
0x96: {  	[sflag:s3] =	ssyncset.done $0x0;
	p0 =	sne.s32 s30, s0;
	p1 =	slt.s32 s2, $0xF  }
0x97: {  	[sflag:s3] =	ssyncadd.s32 $0xFFFFFFFF;
	v3 =	vimm.s32 @!p0 $0xFFFFFFFF;
	s2 =	simm.s32 @!p1 $0xF  }
0x98: {  	[tilespmem:$0x80] =	vst @!p0 v3;
	s31 =	sadd.s32 $0x90, s2  }
0x99: {  	[spmem:s10] =	stream.linear.scatter [tilespmem:s31], [sflag:$0x1], $0x1, $0x38;
	[tilespmem:$0x5B20] =	vst v63  }
0x9a: {  	_ =	swait.ge [sflag:s3], $0x1  }
0x9b: {  	[sflag:s3] =	ssyncset.done $0x0  }
0x9c: {  	[sflag:s3] =	ssyncadd.s32 $0xFFFFFFFF  }
0x9d: {  	[spmem:s13] =	stream.linear.scatter [tilespmem:s26], [sflag:$0x1], $0x1, $0x38;
	[tilespmem:$0x5B20] =	vst v63  }
0x9e: {  	_ =	swait.ge [sflag:s3], $0x1  }
0x9f: {  	[sflag:s3] =	ssyncset.done $0x0  }
0xa0: {  	[sflag:s3] =	ssyncadd.s32 $0xFFFFFFFF;
	(ifvalue) =	ssetifvalue $0xFFFFFFFF;
	v3 =	vld [tilespmem:$0x10];
	_ =	sdelay $0x3  }
.Ltmp8:
0xa1: {  	_ = 	snop;
	(pc) =	sbr.rel .LBB2_4-.Ltmp8, $3  }
0xa2: {  	_ =	sdelay $0x1  }
0xa3: {  	(ifvalue) =	ssetifvalue $0xFFFFFFFF  }
0xa4: {  	[hbm4b:s1+s14] =	stream.indirect_vreg.scatter [tilespmem:s19], [sflag:$0x9], $0x1, v3, vm0, $0x4038;
	[tilespmem:$0x5B20] =	vst v63  }
.LBB2_12:
0xa5: {  	s0 =	simm.s32 $0x2  }
0xa6: {  	_ =	swait.ge [sflag:s0], $0xA00  }
0xa7: {  	[sflag:s0] =	ssyncset.done $0x0  }
0xa8: {  	s31 =	simm.s32 $0x9;
	[sflag:s0] =	ssyncadd.s32 $0xFFFFF600  }
0xa9: {  	_ =	swait.ge [sflag:s31], $0x10  }
0xaa: {  	[sflag:s31] =	ssyncset.done $0x0  }
0xab: {  	[sflag:s31] =	ssyncadd.s32 $0xFFFFFFF0  }
.LBB2_13:
0xac: {  	_ =	sfence.sel $0x180000  }
0xad: {  	s0 =	simm.s32 $0x7;
	[bflag:$0x0] =	sbarrier.arrive $0xFFFF  }
0xae: {  	s26 =	simm.s32 $0x8;
	[sflag:s0] =	ssyncpa.u1 $0x1  }
0xaf: {  	s28 =	simm.s32 $0x9;
	[sflag:s26] =	ssyncpa.u1 $0x1  }
0xb0: {  	[sflag:s28] =	ssyncpa.u1 $0x1  }
0xb1: {  	_ =	sfence.stream.spmem  }
0xb2: {  	s29 =	simm.s32 $0x3;
	[bflag:$0x0] =	sbarrier.arrive $0xFFFF  }
0xb3: {  	s30 =	simm.s32 $0x4;
	[sflag:s29] =	ssyncpa.u1 $0x1  }
0xb4: {  	s31 =	simm.s32 $0x3C;
	s2 =	stileid.u32;
	[sflag:s30] =	ssyncpa.u1 $0x1  }
0xb5: {  	p0 =	sne.s32 s2, $0x0;
	[sflag:s31] =	ssyncpa.u1 $0x1  }
0xb6: {  	s0 =	simm.s32 @p0 $0x1;
	_ =	sfence @p0  }
0xb7: {  	[sflag:s0] =	ssyncpa.u1 @p0 $0x1;
	s0 =	simm.s32 @p0 $0x2  }
0xb8: {  	[sflag:s0] =	ssyncpa.u1 @p0 $0x1  }
0xb9: {  	_ =	strace @p0 $0x90000047  }
0xba: {  	[bflag:$0x2] =	sbarrier.arrive @p0 $0xFFFF  }
0xbb: {  	_ =	shalt @p0  }
.LBB2_14:
0xbc: {  	_ =	sfence.stream.spmem;
	s0 =	simm.s32 $0x5  }
0xbd: {  	s2 =	simm.s32 $0x80;
	s3 =	simm.s32 $0xC0;
	[sflag:s0] =	ssyncpa.u1 $0x0  }
0xbe: {  	[tilespmem:s3], [sflag:$0x5] =	stream.linear.gather [spmem:s2], $0x20, $0x38;
	[tilespmem:$0x5B20] =	vst v63  }
0xbf: {  	s2 =	simm.s32 $0x0;
	s3 =	simm.s32 $0xE0  }
0xc0: {  	[tilespmem:s3], [sflag:$0x5] =	stream.linear.gather [spmem:s2], $0x20, $0x38;
	[tilespmem:$0x5B20] =	vst v63  }
.Ltmp9:
0xc1: {  	_ = 	snop;
	(pc) =	sbr.rel .LBB2_15-.Ltmp9, $4  }
0xc2: {  	_ =	swait.ge [sflag:s0], $0x40  }
0xc3: {  	[sflag:s0] =	ssyncset.done $0x0  }
0xc4: {  	s31 =	simm.s32 $0x6;
	[sflag:s0] =	ssyncadd.s32 $0xFFFFFFC0  }
0xc5: {  	s4 =	simm.s32 $0x0;
	[sflag:s31] =	ssyncpa.u1 $0x0  }
.LBB2_20:
0xc6: {  	p0 =	sgt.u32 s0, $0x1FFFF  }
0xc7: {  	s5 =	sshrl.u32 @!p0 s0, $0x3  }
0xc8: {  	s0 =	sand.u32 @!p0 $0x7, s0;
	s6 =	simm.s32 @!p0 $0xB0;
	s5 =	sadd.s32 @!p0 s1, s5  }
0xc9: {  	[tilespmem:s6], [sflag:$0x6] =	stream.linear.gather @!p0 [hbm4b:s5+s0], $0x1, $0x38;
	[tilespmem:$0x5B20] =	vst v63  }
0xca: {  	s0 =	simm.s32 @!p0 $0x6  }
0xcb: {  	_ =	swait.ge @!p0 [sflag:s0], $0x1  }
0xcc: {  	[sflag:s0] =	ssyncset.done @!p0 $0x0  }
0xcd: {  	[sflag:s0] =	ssyncadd.s32 @!p0 $0xFFFFFFFF  }
0xce: {  	v2 =	vmov @!p0 s4;
	v1 =	vld.msk @!p0 [tilespmem:$0xB0], $0x1;
	_ =	sdelay $0x3  }
0xcf: {  	s0 =	simm.s32 @!p0 $0xE0  }
0xd0: {  	[tilespmem:v2+s0+$0x0], v1 =	vst.idx.ret.add.f32.msk @!p0 $0x1, v1  }
0xd1: {  	[tilespmem:s2+$0xC0] =	vst.msk $0x1, v0  }
0xd2: {  	v0 =	vld.msk [tilespmem:s4+$0xE0], $0x1;
	_ =	sdelay $0x4  }
0xd3: {  	[tilespmem:s2+$0xE0] =	vst.msk $0x1, v0;
	s2 =	sadd.s32 $0x1, s2  }
.LBB2_22:
0xd4: {  	s4 =	sadd.s32 $0x1, s4  }
0xd5: {  	p0 =	sne.s32 s4, $0x20  }
.Ltmp10:
0xd6: {  	_ = 	snop;
	(pc) =	sbr.rel @!p0 .LBB2_23-.Ltmp10, $1  }
0xd7: {  	_ =	sdelay $0x3  }
.LBB2_15:
0xd8: {  	v0 =	vld.msk [tilespmem:s4+$0xC0], $0x1;
	_ =	sdelay $0x4  }
0xd9: {  	(v2sf) =	vpush v0, $0x0;
	_ =	sdelay $0xe  }
0xda: {  	s0 =	spop (v2sf)  }
0xdb: {  	p0 =	seq.s32 s0, $0xFFFFFFFF  }
.Ltmp11:
0xdc: {  	_ = 	snop;
	(pc) =	sbr.rel @p0 .LBB2_22-.Ltmp11, $1  }
0xdd: {  	_ =	sdelay $0x3  }
0xde: {  	p0 =	slt.s32 s2, $0x1  }
.Ltmp12:
0xdf: {  	_ = 	snop;
	(pc) =	sbr.rel @p0 .LBB2_20-.Ltmp12, $1  }
0xe0: {  	_ =	sdelay $0x3  }
0xe1: {  	s5 =	simm.s32 $0xC0;
	p0 =	por $0x0, $0x0  }
0xe2: {  	v1 =	vld.msk @!p0 [tilespmem:s5+$0x0], $0x1;
	_ =	sdelay $0x4  }
0xe3: {  	(v2sf) =	vpush @!p0 v1, $0x0;
	_ =	sdelay $0xd  }
0xe4: {  	p2 =	sne.s32 s2, $0x1  }
.Ltmp13:
0xe5: {  	s6 =	spop @!p0 (v2sf);
	(pc) =	sbr.rel @!p2 .LBB2_19-.Ltmp13, $4  }
0xe6: {  	p1 =	seq.s32 @!p0 s0, s6  }
0xe7: {  	s6 =	simm.s32 $0x0;
	p1 =	por !p1, p0  }
0xe8: {  	s8 =	simm.s32 $0xFFFFFFFF;
	s6 =	simm.s32 @p1 $0xFFFFFFFF  }
0xe9: {  	s7 =	simm.s32 $0x1;
	s6 =	smov.u32 @p0 s8  }
.LBB2_18:
0xea: {  	s8 =	smov.u32 s6;
	p0 =	sne.s32 s6, $0xFFFFFFFF  }
0xeb: {  	s5 =	sadd.s32 $0x1, s5;
	s6 =	smov.u32 s7;
	s7 =	sadd.s32 $0x1, s7  }
0xec: {  	p1 =	sne.s32 s2, s7;
	v1 =	vld.msk @!p0 [tilespmem:s5+$0x0], $0x1;
	_ =	sdelay $0x4  }
0xed: {  	(v2sf) =	vpush @!p0 v1, $0x0;
	_ =	sdelay $0xe  }
.Ltmp14:
0xee: {  	s9 =	spop @!p0 (v2sf);
	(pc) =	sbr.rel @p1 .LBB2_18-.Ltmp14, $4  }
0xef: {  	p2 =	seq.s32 @!p0 s0, s9  }
0xf0: {  	p2 =	por !p2, p0  }
0xf1: {  	s6 =	simm.s32 @p2 $0xFFFFFFFF  }
0xf2: {  	s6 =	smov.u32 @p0 s8  }
.LBB2_19:
0xf3: {  	p0 =	sne.s32 s6, $0xFFFFFFFF  }
.Ltmp15:
0xf4: {  	_ = 	snop;
	(pc) =	sbr.rel @!p0 .LBB2_20-.Ltmp15, $1  }
0xf5: {  	_ =	sdelay $0x3  }
0xf6: {  	v0 =	vld.msk [tilespmem:s4+$0xE0], $0x1;
	v1 =	vmov s6  }
.Ltmp16:
0xf7: {  	_ = 	snop;
	(pc) =	sbr.rel .LBB2_22-.Ltmp16, $2  }
0xf8: {  	_ =	sdelay $0x2  }
0xf9: {  	[tilespmem:v1+s3+$0x0], v0 =	vst.idx.ret.add.f32.msk $0x1, v0  }
.LBB2_23:
0xfa: {  	p0 =	slt.s32 s2, $0x1  }
.Ltmp17:
0xfb: {  	_ = 	snop;
	(pc) =	sbr.rel @p0 .LBB2_27-.Ltmp17, $3  }
0xfc: {  	_ =	sdelay $0x1  }
0xfd: {  	s0 =	simm.s32 $0x6  }
0xfe: {  	[sflag:s0] =	ssyncpa.u1 $0x1;
	s0 =	simm.s32 $0x0  }
0xff: {  	s3 =	simm.s32 $0xC0  }
0x100: {  	v0 =	vld.msk [tilespmem:s3+$0x0], $0x1;
	_ =	sdelay $0x4  }
0x101: {  	(v2sf) =	vpush v0, $0x0;
	_ =	sdelay $0xe  }
0x102: {  	s2 =	sadd.s32 $0xFFFFFFFF, s2;
	s4 =	spop (v2sf)  }
0x103: {  	p1 =	sne.s32 s2, $0x0;
	p0 =	sgt.u32 s4, $0x1FFFF  }
.Ltmp18:
0x104: {  	s5 =	sshrl.u32 @!p0 s4, $0x3;
	(pc) =	sbr.rel @!p1 .LBB2_26-.Ltmp18, $4  }
0x105: {  	s3 =	simm.s32 $0xE0;
	s4 =	sand.u32 @!p0 $0x7, s4;
	s5 =	sadd.s32 @!p0 s1, s5  }
0x106: {  	[hbm4b:s5+s4] =	stream.linear.scatter @!p0 [tilespmem:s3], [sflag:$0x5], $0x1, $0x38;
	[tilespmem:$0x5B20] =	vst v63  }
0x107: {  	s5 =	simm.s32 $0x0  }
0x108: {  	s4 =	simm.s32 $0xC1;
	s5 =	simm.s32 @!p0 $0x4  }
.LBB2_25:
0x109: {  	v0 =	vld.msk [tilespmem:s4+$0x0], $0x1;
	s2 =	sadd.s32 $0xFFFFFFFF, s2;
	s0 =	sadd.s32 s0, s5  }
0x10a: {  	p0 =	sne.s32 s2, $0x0;
	_ =	sdelay $0x3  }
0x10b: {  	(v2sf) =	vpush v0, $0x0;
	_ =	sdelay $0xe  }
.Ltmp19:
0x10c: {  	s6 =	spop (v2sf);
	(pc) =	sbr.rel @p0 .LBB2_25-.Ltmp19, $4  }
0x10d: {  	s5 =	simm.s32 $0x0;
	p1 =	sgt.u32 s6, $0x1FFFF  }
0x10e: {  	s3 =	sadd.s32 $0x1, s3;
	s5 =	simm.s32 @!p1 $0x4;
	s7 =	sshrl.u32 @!p1 s6, $0x3  }
0x10f: {  	s4 =	sadd.s32 $0x1, s4;
	s6 =	sand.u32 @!p1 $0x7, s6;
	s7 =	sadd.s32 @!p1 s1, s7  }
0x110: {  	[hbm4b:s7+s6] =	stream.linear.scatter @!p1 [tilespmem:s3], [sflag:$0x5], $0x1, $0x38;
	[tilespmem:$0x5B20] =	vst v63  }
.LBB2_26:
0x111: {  	s0 =	sadd.s32 s0, s5  }
0x112: {  	s0 =	sshrl.u32 s0, $0x2  }
.LBB2_27:
0x113: {  	s1 =	simm.s32 $0x5  }
0x114: {  	_ =	swait.ge [sflag:s1], s0  }
0x115: {  	s28 =	ssub.s32 $0x0, s0;
	[sflag:s1] =	ssyncset.done $0x0  }
0x116: {  	[sflag:s1] =	ssyncadd.s32 s28  }
0x117: {  	[sflag:s1] =	ssyncpa.u1 $0x1  }
0x118: {  	s29 =	simm.s32 $0x1;
	_ =	sfence  }
0x119: {  	s30 =	simm.s32 $0x2;
	[sflag:s29] =	ssyncpa.u1 $0x1  }
0x11a: {  	[sflag:s30] =	ssyncpa.u1 $0x1  }
0x11b: {  	_ =	strace $0x90000047  }
0x11c: {  	[bflag:$0x2] =	sbarrier.arrive $0xFFFF  }
0x11d: {  	s31 =	rddreg [dreg:$0x2]  }
0x11e: {  	s0 =	sadd.s32 $0x100000, s31  }
0x11f: {  	[sflag:s0] =	ssyncadd.tile.s32 $0x1;
	_ =	shalt  }
.Lfunc_end2:
_tile_overlayer_lowered:
.L_overlay_start_2:
0x120: {  	(tag) =	ssettag $0x2  }
0x121: {  	s0 =	rddreg [dreg:$0x0];
	s2 =	stileid.u32  }
0x122: {  	s1 =	rddreg [dreg:$0x1];
	p0 =	sne.s32 s2, $0x0  }
0x123: {  	s3 =	rddreg [dreg:$0x2];
	[bflag:$0x3] =	sbarrier.arrive $0xFFFF;
	s2 =	simm.s32 @!p0 $0x1C01  }
0x124: {  	[timem:s3], [sflag:s2] =	dma.local @!p0 [hbm:s0], s1  }
0x125: {  	s0 =	simm.s32 @!p0 $0x1  }
0x126: {  	_ =	swait.ge @!p0 [sflag:s0], s1  }
0x127: {  	s1 =	ssub.s32 @!p0 $0x0, s1;
	[sflag:s0] =	ssyncset.done @!p0 $0x0  }
0x128: {  	[sflag:s0] =	ssyncadd.s32 @!p0 s1  }
0x129: {  	[bflag:$0x3] =	sbarrier.arrive $0xFFFF  }
0x12a: {  	_ =	shalt  }

// kernel: scatter_offload_async_start
scs
__scs_entry_jumppad:
0x0: {  	(pc) =	sbr.rel $0x88, $3  }
0x1: {  	(tag) =	ssettag $0x0;
	lr =	simm.s32 $0x1  }
0x2: {  	[smem:$0x3F93] =	sst lr;
	_ =	strace $0xD0000000  }
0x3: {  	_ = 	snop  }
0x4: {  	_ = 	snop  }
0x5: {  	_ = 	snop  }
0x6: {  	_ = 	snop  }
0x7: {  	_ = 	snop  }
__scs_overlays_trampoline_lowered:
0x8: {  	[smem:$0x3FA2] =	sst s0  }
0x9: {  	[smem:$0x3FA3] =	sst s1  }
0xa: {  	[smem:$0x3FA4] =	sst s2  }
0xb: {  	[smem:$0x3FA5] =	sst s3  }
0xc: {  	[smem:$0x3FA6] =	sst s4  }
0xd: {  	[smem:$0x3FA7] =	sst s5  }
0xe: {  	[smem:$0x3FA8] =	sst s6  }
0xf: {  	[smem:$0x3FA9] =	sst s7  }
0x10: {  	[smem:$0x3FAA] =	sst s8  }
0x11: {  	[smem:$0x3FAB] =	sst s9;
	s0 =	simm.s32 @!p0 $0x0  }
0x12: {  	s1 =	sld [smem:$0x3F91];
	s0 =	simm.s32 @p0 $0x1  }
0x13: {  	[smem:$0x3FAC] =	sst s0;
	s0 =	simm.s32 @!p1 $0x0  }
0x14: {  	s2 =	sld [smem:$0x3F90];
	s0 =	simm.s32 @p1 $0x1  }
0x15: {  	[smem:$0x3FAD] =	sst s0;
	s0 =	simm.s32 @!p2 $0x0  }
0x16: {  	s3 =	sld [smem:$0x3FDB];
	s0 =	simm.s32 @p2 $0x1  }
0x17: {  	s4 =	simm.s32 $0x1BF5;
	[smem:$0x3FAF] =	sst s0  }
0x18: {  	s0 =	sld [smem:$0x3F92];
	_ =	swait.ge [sflag:s4], $0x0  }
0x19: {  	s7 =	sld [smem:$0x3F93]  }
0x1a: {  	s8 =	sadd.s32 $0xFFFFE003, lr  }
0x1b: {  	s9 =	sadd.s32 $0xFFFFFEF7, lr;
	s5 =	simm.s32 $0xFFFFFFFF;
	p2 =	slt.u32 s8, $0xFFFFF086  }
0x1c: {  	p1 =	slt.u32 s9, $0xF7A;
	s5 =	simm.s32 @!p2 $0x0  }
0x1d: {  	s5 =	simm.s32 @p1 $0x1;
	p0 =	seq.s32 s7, s2  }
0x1e: {  	s7 =	smul.u32 @!p0 $0xF7A, s2;
	p2 =	seq.s32 @!p0 s5, $0x0  }
0x1f: {  	s9 =	smul.u32 $0xF7A, s1;
	s8 =	simm.s32 @!p0 $0x1BF5;
	p2 =	por !p2, p0  }
0x20: {  	[sflag:s8] =	ssyncset.s32 @!p0 $0xFFFFF086;
	s6 =	sadd.s32 @!p0 s3, s7;
	s7 =	simm.s32 @!p0 $0x108  }
0x21: {  	s3 =	sadd.s32 s3, s9;
	s6 =	sadd.s32 @!p0 $0x88, s6;
	s7 =	simm.s32 @p2 $0x1082  }
0x22: {  	[simem:s7], [sflag:s8] =	dma.local @!p0 [hbm:s6], $0xF7A  }
0x23: {  	s9 =	sor.u32 $0xD0000000, s2;
	s6 =	simm.s32 $0x108;
	_ =	swait.ge @!p0 [sflag:s8], $0x0  }
0x24: {  	s3 =	sadd.s32 $0x88, s3;
	s6 =	simm.s32 @!p1 $0x1082;
	[sflag:s4] =	ssyncset.s32 $0xFFFFF086  }
0x25: {  	[simem:s6], [sflag:s4] =	dma.local [hbm:s3], $0xF7A  }
0x26: {  	[smem:$0x3F93] =	sst s1;
	(tag) =	ssettag s2;
	_ =	strace s9  }
0x27: {  	s1 =	sld [smem:$0x3FA3]  }
0x28: {  	s2 =	sld [smem:$0x3FA4]  }
0x29: {  	s4 =	sld [smem:$0x3FA6]  }
0x2a: {  	p0 =	seq.s32 s5, $0x0;
	s5 =	sld [smem:$0x3FA7]  }
0x2b: {  	s6 =	sld [smem:$0x3FA8]  }
0x2c: {  	s7 =	sld [smem:$0x3FA9]  }
0x2d: {  	s3 =	simm.s32 $0x108;
	s8 =	sld [smem:$0x3FAA]  }
0x2e: {  	s3 =	simm.s32 @!p0 $0x1082;
	s9 =	sld [smem:$0x3FAB]  }
0x2f: {  	lr =	sadd.s32 s0, s3;
	s0 =	sld [smem:$0x3FA2]  }
0x30: {  	s3 =	sld [smem:$0x3FA5]  }
0x31: {  	[smem:$0x3FAE] =	sst s10  }
0x32: {  	s10 =	sld [smem:$0x3FAC];
	_ =	sdelay $0x3  }
0x33: {  	p0 =	seq.s32 s10, $0x1;
	s10 =	sld [smem:$0x3FAE];
	_ =	sdelay $0x3  }
0x34: {  	[smem:$0x3FAE] =	sst s10  }
0x35: {  	s10 =	sld [smem:$0x3FAD];
	_ =	sdelay $0x3  }
0x36: {  	p1 =	seq.s32 s10, $0x1;
	s10 =	sld [smem:$0x3FAE];
	_ =	sdelay $0x3  }
0x37: {  	[smem:$0x3FAE] =	sst s10  }
0x38: {  	s10 =	sld [smem:$0x3FAF]  }
0x39: {  	_ = 	snop;
	(pc) =	sbr.ind lr, $3  }
0x3a: {  	_ = 	snop  }
0x3b: {  	_ = 	snop  }
0x3c: {  	p2 =	seq.s32 s10, $0x1;
	s10 =	sld [smem:$0x3FAE]  }
0x3d: {  	_ =	shalt  }
0x3e: {  	_ =	shalt  }
0x3f: {  	_ =	shalt  }
0x40: {  	_ =	shalt  }
0x41: {  	_ =	shalt  }
0x42: {  	_ =	shalt  }
0x43: {  	_ =	shalt  }
0x44: {  	_ =	shalt  }
0x45: {  	_ =	shalt  }
0x46: {  	_ =	shalt  }
0x47: {  	_ =	shalt  }
0x48: {  	_ =	shalt  }
0x49: {  	_ =	shalt  }
0x4a: {  	_ =	shalt  }
0x4b: {  	_ =	shalt  }
0x4c: {  	_ =	shalt  }
0x4d: {  	_ =	shalt  }
0x4e: {  	_ =	shalt  }
0x4f: {  	_ =	shalt  }
0x50: {  	_ =	shalt  }
0x51: {  	_ =	shalt  }
0x52: {  	_ =	shalt  }
0x53: {  	_ =	shalt  }
0x54: {  	_ =	shalt  }
0x55: {  	_ =	shalt  }
0x56: {  	_ =	shalt  }
0x57: {  	_ =	shalt  }
0x58: {  	_ =	shalt  }
0x59: {  	_ =	shalt  }
0x5a: {  	_ =	shalt  }
0x5b: {  	_ =	shalt  }
0x5c: {  	_ =	shalt  }
0x5d: {  	_ =	shalt  }
0x5e: {  	_ =	shalt  }
0x5f: {  	_ =	shalt  }
0x60: {  	_ =	shalt  }
0x61: {  	_ =	shalt  }
0x62: {  	_ =	shalt  }
0x63: {  	_ =	shalt  }
0x64: {  	_ =	shalt  }
0x65: {  	_ =	shalt  }
0x66: {  	_ =	shalt  }
0x67: {  	_ =	shalt  }
0x68: {  	_ =	shalt  }
0x69: {  	_ =	shalt  }
0x6a: {  	_ =	shalt  }
0x6b: {  	_ =	shalt  }
0x6c: {  	_ =	shalt  }
0x6d: {  	_ =	shalt  }
0x6e: {  	_ =	shalt  }
0x6f: {  	_ =	shalt  }
0x70: {  	_ =	shalt  }
0x71: {  	_ =	shalt  }
0x72: {  	_ =	shalt  }
0x73: {  	_ =	shalt  }
0x74: {  	_ =	shalt  }
0x75: {  	_ =	shalt  }
0x76: {  	_ =	shalt  }
0x77: {  	_ =	shalt  }
0x78: {  	_ =	shalt  }
0x79: {  	_ =	shalt  }
0x7a: {  	_ =	shalt  }
0x7b: {  	_ =	shalt  }
0x7c: {  	_ =	shalt  }
0x7d: {  	_ =	shalt  }
0x7e: {  	_ =	shalt  }
0x7f: {  	_ =	shalt  }
0x80: {  	_ =	shalt  }
0x81: {  	_ =	shalt  }
0x82: {  	_ =	shalt  }
0x83: {  	_ =	shalt  }
0x84: {  	_ =	shalt  }
0x85: {  	_ =	shalt  }
0x86: {  	_ =	shalt  }
0x87: {  	_ =	shalt  }
.Lfunc_end0:
.L_simem_size_0:
called_computation_lowered:
.L_overlay_start_0:
0x88: {  	s2 =	sld [smem:$0x3FD9]  }
0x89: {  	s3 =	sld [smem:$0x3FFE];
	_ =	sdelay $0x1  }
0x8a: {  	s1 =	srdreg.scid  }
0x8b: {  	s0 =	sand.u32 $0x1, s1  }
0x8c: {  	s17 =	sshll.u32 s0, $0xA;
	s2 =	sadd.s32 s3, s2  }
0x8d: {  	s2 =	sadd.s32 s2, s17  }
0x8e: {  	[smem:$0x3FBA] =	sst s2  }
0x8f: {  	_ = 	snop  }
0x90: {  	(tm) =	ssettm $0x1  }
0x91: {  	s18 =	sld [smem:$0x3FFB];
	_ =	sdelay $0x3  }
0x92: {  	_ =	strace s18  }
0x93: {  	s2 =	sld [smem:$0x3FFC];
	_ =	sdelay $0x3  }
0x94: {  	_ =	strace s2  }
0x95: {  	s2 =	sld [smem:$0x3FFD];
	_ =	sdelay $0x3  }
0x96: {  	_ =	strace s2  }
0x97: {  	_ =	strace $0x8FFFFFFF  }
0x98: {  	s19 =	sld [smem:$0x3FDB];
	_ =	sdelay $0x1  }
0x99: {  	s20 =	simm.s32 $_scs_section_size  }
0x9a: {  	s4 =	simm.s32 $_size__tile_overlayer_lowered;
	s5 =	simm.s32 $_tile_overlayer_lowered  }
0x9b: {  	s6 =	simm.s32 $0x1BFF;
	s21 =	sshll.u32 s5, $0x1;
	s3 =	sadd.s32 s20, s19  }
0x9c: {  	s22 =	simm.s32 $0x0;
	s4 =	sshll.u32 s4, $0x1;
	s5 =	sadd.s32 s21, s3  }
0x9d: {  	[timem:s22], [sflag:s6] =	dma.local [hbm:s5], s4  }
0x9e: {  	_ =	swait.ge [sflag:s6], s4  }
0x9f: {  	s4 =	ssub.s32 $0x0, s4;
	[sflag:s6] =	ssyncset.done $0x0  }
0xa0: {  	[sflag:s6] =	ssyncadd.s32 s4;
	_ =	sdelay $0x1  }
0xa1: {  	s23 =	simm.s32 $0x1B8B  }
0xa2: {  	_ =	swait.ge [sflag:s23], $0x1  }
0xa3: {  	[sflag:s23] =	ssyncset.done $0x0  }
0xa4: {  	[sflag:s23] =	ssyncadd.s32 $0xFFFFFFFF  }
0xa5: {  	s4 =	sld [smem:$0x0]  }
0xa6: {  	s5 =	sand.u32 $0xFFFFFFFE, s1  }
0xa7: {  	p0 =	sne.s32 s1, s5  }
0xa8: {  	s5 =	sshll.u32 @p0 s5, $0xE  }
0xa9: {  	s5 =	sadd.s32 @p0 $0x11B8D, s5;
	s6 =	sshll.u32 @p0 s4, $0x11  }
0xaa: {  	s5 =	sor.u32 @p0 s6, s5  }
0xab: {  	[sflag:s5] =	ssyncadd.remote.s32 @p0 $0x1;
	_ =	sdelay $0x1  }
0xac: {  	s5 =	simm.s32 @p0 $0x1B8D  }
0xad: {  	_ =	swait.eq @p0 [sflag:s5], $0x1  }
0xae: {  	[sflag:s5] =	ssyncadd.s32 @p0 $0xFFFFFFFF  }
0xaf: {  	s6 =	sshll.u32 @!p0 s1, $0xE  }
0xb0: {  	s6 =	sor.u32 @!p0 $0x4000, s6;
	s5 =	simm.s32 @!p0 $0x1B8D  }
0xb1: {  	s7 =	sshll.u32 @!p0 s4, $0x11;
	s6 =	sadd.s32 @!p0 $0x11B8D, s6;
	_ =	swait.eq @!p0 [sflag:s5], $0x1  }
0xb2: {  	[sflag:s5] =	ssyncadd.s32 @!p0 $0xFFFFFFFF;
	s5 =	sor.u32 @!p0 s7, s6  }
0xb3: {  	s25 =	simm.s32 $0x1B8E;
	s24 =	sld [smem:$0x3FFE];
	[sflag:s5] =	ssyncadd.remote.s32 @!p0 $0x1  }
0xb4: {  	s26 =	simm.s32 $execute0_lowered;
	[smem:$0x3FD2] =	sst s25  }
0xb5: {  	s6 =	sshll.u32 s26, $0x1;
	_ =	strace $0x80000049;
	[dreg:$0x1] =	wrdreg $0xFFFFFFFF  }
0xb6: {  	s28 =	simm.s32 $_size_execute0_lowered;
	s3 =	sadd.s32 s3, s6;
	[dreg:$0x0] =	wrdreg $0x0  }
0xb7: {  	s6 =	sshll.u32 s28, $0x1;
	[dreg:$0x2] =	wrdreg s3  }
0xb8: {  	[dreg:$0x3] =	wrdreg s6  }
0xb9: {  	[dreg:$0x4] =	wrdreg $0xC0  }
0xba: {  	_ =	task [dreg:s22], $0x5FFFF  }
0xbb: {  	[dreg:$0x1] =	wrdreg $0xFFFFFFFF  }
0xbc: {  	[dreg:$0x0] =	wrdreg $0x60  }
0xbd: {  	[dreg:$0x2] =	wrdreg s24  }
0xbe: {  	[dreg:$0x3] =	wrdreg s1  }
0xbf: {  	[dreg:$0x4] =	wrdreg s4  }
0xc0: {  	[dreg:$0x5] =	wrdreg $0x9  }
0xc1: {  	_ =	task.clear_ibuf [dreg:s22], $0x6FFFF;
	_ =	strace $0x90000049  }
0xc2: {  	s29 =	simm.s32 $0x9;
	_ =	strace $0x8000004B  }
0xc3: {  	_ =	swait.ge [sflag:s29], $0x1  }
0xc4: {  	[sflag:s29] =	ssyncadd.s32 $0xFFFFFFFF  }
0xc5: {  	_ =	strace $0x9000004B  }
0xc6: {  	_ =	sfence  }
0xc7: {  	s30 =	sld [smem:$0x0];
	_ =	sdelay $0x2  }
0xc8: {  	s31 =	sshll.u32 s1, $0xD;
	s1 =	sshrl.u32 s1, $0x2  }
0xc9: {  	s4 =	sand.u32 $0x4000, s31;
	s1 =	sadd.s32 s1, s30  }
0xca: {  	s0 =	sor.u32 s4, s0;
	s1 =	sshll.u32 s1, $0x11  }
0xcb: {  	s0 =	sor.u32 s1, s0  }
0xcc: {  	s0 =	sadd.s32 $0x8F2B, s0  }
0xcd: {  	[sflag:s0] =	ssyncadd.remote.s32 $0x1  }
0xce: {  	_ =	sfence.sel $0xFFFF  }
0xcf: {  	[dreg:$0x0] =	wrdreg $0xFFFFFFFF;
	(pc) =	sbr.abs _section_cstart, $3  }
0xd0: {  	[dreg:$0x1] =	wrdreg $0xFFFFFFFF  }
0xd1: {  	_ =	task.clear_ibuf [dreg:s22], $0x2FFFF;
	_ =	strace $0x9FFFFFFF  }
0xd2: {  	(tm) =	ssettm $0x7FFFFFFF  }
0xd3: {  	_ =	shalt  }
tec
execute0_lowered:
.L_overlay_start_1:
0x0: {  	(tag) =	ssettag $0x1  }
0x1: {  	s2 =	rddreg [dreg:$0x0]  }
0x2: {  	s3 =	rddreg [dreg:$0x1];
	_ =	strace $0x8000004A;
	s0 =	simm.s32 $0x1  }
0x3: {  	v0 =	vimm.s32 $0x0;
	[sflag:s0] =	ssyncpa.u1 $0x0;
	s0 =	simm.s32 $0x108  }
0x4: {  	[tilespmem:s0+$0x70] =	vst v0  }
0x5: {  	[tilespmem:s0+$0x60] =	vst v0  }
0x6: {  	[tilespmem:s0+$0x50] =	vst v0  }
0x7: {  	[tilespmem:s0+$0x40] =	vst v0  }
0x8: {  	[tilespmem:s0+$0x30] =	vst v0  }
0x9: {  	s1 =	sadd.s32 $0x6400, s2;
	s15 =	sadd.s32 $0x1400, s2;
	s6 =	sadd.s32 $0x280000, s2;
	[tilespmem:s0+$0x20] =	vst v0  }
0xa: {  	s14 =	sadd.s32 $0x2800, s2;
	s5 =	sand.u32 $0x1, s3;
	s3 =	simm.s32 $0x40;
	[tilespmem:s0+$0x10] =	vst v0  }
.LBB2_1:
0xb: {  	s3 =	sadd.s32 $0x40, s3;
	[tilespmem:s0+$0x0] =	vst v0;
	s0 =	sadd.s32 $0x80, s0  }
0xc: {  	p0 =	slt.u32 s3, $0x3C40;
	[tilespmem:s0+$0x70] =	vst v0  }
0xd: {  	[tilespmem:s0+$0x60] =	vst v0  }
.Ltmp0:
0xe: {  	[tilespmem:s0+$0x50] =	vst v0;
	(pc) =	sbr.rel @p0 .LBB2_1-.Ltmp0, $4  }
0xf: {  	[tilespmem:s0+$0x40] =	vst v0  }
0x10: {  	[tilespmem:s0+$0x30] =	vst v0  }
0x11: {  	[tilespmem:s0+$0x20] =	vst v0  }
0x12: {  	[tilespmem:s0+$0x10] =	vst v0  }
0x13: {  	s9 =	stileid.u32  }
0x14: {  	s2 =	smul.u32 $0x5, s9  }
0x15: {  	s3 =	smin.u32 s9, $0x6  }
0x16: {  	s2 =	sadd.s32 s3, s2  }
0x17: {  	p0 =	slt.u32 s9, $0x6;
	s7 =	smul.u32 $0xF0, s2;
	s2 =	simm.s32 $0x5A0  }
0x18: {  	s2 =	simm.s32 @!p0 $0x4B0  }
0x19: {  	s2 =	sadd.s32 s2, s7  }
0x1a: {  	s8 =	smin.u32 s2, $0x5000  }
0x1b: {  	s2 =	ssub.s32 s8, s7  }
0x1c: {  	p0 =	sgt.s32 s2, $0x0  }
0x1d: {  	s29 =	simm.s32 $0x2;
	s10 =	simm.s32 $0x9;
	s2 =	simm.s32 @!p0 $0x0  }
0x1e: {  	s4 =	simm.s32 $0xA;
	s11 =	simm.s32 $0xB;
	s28 =	smul.u32 $0x8889, s2  }
0x1f: {  	[dreg:$0x4] =	wrdreg s5;
	s31 =	smul.u32 $0xA00, s5;
	s12 =	simm.s32 $0x1  }
0x20: {  	s22 =	simm.s32 $0x0;
	s18 =	simm.s32 $0xC;
	s30 =	sshrl.u32 s28, $0x17  }
0x21: {  	s20 =	simm.s32 $0x0;
	s21 =	simm.s32 $0x0;
	s3 =	smul.u32 $0xF0, s30  }
.Ltmp1:
0x22: {  	[tilespmem:s0+$0x0] =	vst v0;
	v0 =	vimm.s32 $0xFFFFFFFF;
	[sflag:s29] =	ssyncpa.u1 $0x0;
	s16 =	sshll.u32 s9, $0x8;
	(pc) =	sbr.rel .LBB2_3-.Ltmp1, $4  }
0x23: {  	[tilespmem:$0xF208] =	vst v0;
	[sflag:s10] =	ssyncpa.u1 $0x0;
	p0 =	sne.s32 s2, s3;
	s2 =	simm.s32 $0x1  }
0x24: {  	s14 =	sadd.s32 s31, s14;
	[sflag:s4] =	ssyncpa.u1 $0x0;
	s2 =	simm.s32 @!p0 $0x0  }
0x25: {  	s15 =	sadd.s32 s31, s15;
	[sflag:s11] =	ssyncpa.u1 $0x0;
	s13 =	sadd.s32 s30, s2  }
0x26: {  	v0 =	vlaneseq.u32;
	s19 =	smov.u32 s7;
	p0 =	por $0x0, $0x0;
	s17 =	sadd.s32 $0x1, s13  }
.LBB2_18:
0x27: {  	s0 =	sshrl.u32 s31, $0x2  }
.LBB2_20:
0x28: {  	_ =	swait.ge [sflag:s18], s0  }
0x29: {  	s31 =	ssub.s32 $0x0, s0;
	v1 =	vmov s24;
	vm0 =	veq.s32 v0, $0x0;
	[sflag:s18] =	ssyncset.done $0x0  }
0x2a: {  	vm15 =	veq.s32 v0, $0x2;
	v1 =	vsel vm0, s30, v1;
	[sflag:s18] =	ssyncadd.s32 s31  }
0x2b: {  	v1 =	vsel vm15, s22, v1;
	[sflag:s18] =	ssyncpa.u1 $0x1  }
0x2c: {  	[tilespmem:$0xF208] =	vst v1  }
.LBB2_21:
0x2d: {  	s0 =	sadd.s32 $0xF0, s19  }
0x2e: {  	s2 =	smov.u32 s7;
	p1 =	slt.s32 s0, s8  }
0x2f: {  	s2 =	smov.u32 @p1 s0;
	p1 =	sne.s32 s21, s17  }
.Ltmp2:
0x30: {  	_ = 	snop;
	(pc) =	sbr.rel @!p1 .LBB2_22-.Ltmp2, $3  }
0x31: {  	_ =	sdelay $0x1  }
0x32: {  	s22 =	smov.u32 s20;
	s31 =	sadd.s32 $0x1, s21;
	s20 =	smov.u32 s19  }
0x33: {  	p0 =	por !p0, !p0;
	s21 =	smov.u32 s31;
	s19 =	smov.u32 s2  }
.LBB2_3:
0x34: {  	p1 =	sge.u32 s21, s13  }
0x35: {  	s0 =	smulhi.u32 @!p1 $0xAAAAAAAB, s21  }
0x36: {  	s2 =	smov.u32 s19;
	p2 =	sgt.s32 @!p1 s19, $0x4F10  }
0x37: {  	s3 =	sshra.s32 @!p1 s19, $0x1F;
	p2 =	por !p2, p1;
	s0 =	sshrl.u32 @!p1 s0, $0x1  }
0x38: {  	s3 =	sand.u32 @!p1 s3, s19;
	s2 =	simm.s32 @p2 $0x4F10;
	s0 =	smul.u32 @!p1 $0x3, s0  }
0x39: {  	s2 =	ssub.s32 @!p1 s2, s3  }
0x3a: {  	s2 =	sadd.s32 @!p1 $0xFFFFB0F0, s2;
	s0 =	ssub.s32 @!p1 s21, s0  }
0x3b: {  	s3 =	sshll.u32 @!p1 s2, $0x2;
	p2 =	sgt.s32 @!p1 s2, $0xEF;
	s0 =	smul.u32 @!p1 $0x3C0, s0  }
0x3c: {  	s4 =	sand.u32 @!p1 $0x7, s19;
	s2 =	ssub.s32 @!p1 $0x3C0, s3;
	p2 =	por !p2, p1  }
0x3d: {  	s3 =	sshrl.u32 @!p1 s19, $0x3;
	s2 =	sshrl.u32 @!p1 s2, $0x2;
	s0 =	sshrl.u32 @!p1 s0, $0x2  }
0x3e: {  	s3 =	sadd.s32 @!p1 s3, s14;
	s2 =	simm.s32 @!p2 $0x0;
	s0 =	sadd.s32 @!p1 $0x10248, s0  }
0x3f: {  	[tilespmem:s0], [sflag:$0xA] =	stream.linear.gather @!p1 [hbm4b:s3+s4], s2, $0x38;
	[tilespmem:$0x1F6F8] =	vst v63  }
0x40: {  	s0 =	sadd.s32 $0xFFFFFFFF, s21  }
0x41: {  	p1 =	sge.u32 s0, s13  }
0x42: {  	p2 =	sgt.s32 @!p1 s20, $0x4F10  }
0x43: {  	s2 =	smov.u32 s20;
	s3 =	sshra.s32 @!p1 s20, $0x1F;
	p2 =	por !p2, p1  }
0x44: {  	s3 =	sand.u32 @!p1 s3, s20;
	s2 =	simm.s32 @p2 $0x4F10  }
0x45: {  	s2 =	ssub.s32 @!p1 s2, s3  }
0x46: {  	s2 =	sadd.s32 @!p1 $0xFFFFB0F0, s2  }
0x47: {  	s4 =	sand.u32 @!p1 $0x1, s0;
	s3 =	sshll.u32 @!p1 s2, $0x2  }
0x48: {  	p2 =	sgt.s32 @!p1 s2, $0xEF;
	s2 =	ssub.s32 @!p1 $0x3C0, s3;
	s3 =	smulhi.u32 @!p1 $0xAAAAAAAB, s0  }
0x49: {  	s23 =	smul.u32 @!p1 $0x3C0, s4;
	p2 =	por !p2, p1;
	s2 =	sshrl.u32 @!p1 s2, $0x2  }
0x4a: {  	s5 =	simm.s32 @!p1 $0xA;
	s2 =	simm.s32 @!p2 $0x0;
	s3 =	sshrl.u32 @!p1 s3, $0x1  }
0x4b: {  	s23 =	sshrl.u32 @!p1 s23, $0x2;
	_ =	swait.ge @!p1 [sflag:s5], s2;
	s3 =	smul.u32 @!p1 $0x3, s3  }
0x4c: {  	s23 =	sadd.s32 @!p1 $0x10518, s23;
	s24 =	ssub.s32 @!p1 $0x0, s2;
	[sflag:s5] =	ssyncset.done @!p1 $0x0  }
0x4d: {  	[sflag:s5] =	ssyncadd.s32 @!p1 s24;
	s5 =	sshrl.u32 @!p1 s20, $0x3;
	s0 =	ssub.s32 @!p1 s0, s3  }
0x4e: {  	s24 =	sand.u32 @!p1 $0x7, s20;
	s5 =	sadd.s32 @!p1 s5, s15;
	s0 =	smul.u32 @!p1 $0x3C0, s0  }
0x4f: {  	[tilespmem:s23], [sflag:$0xB] =	stream.linear.gather @!p1 [hbm4b:s5+s24], s2, $0x38;
	[tilespmem:$0x1F6F8] =	vst v63  }
0x50: {  	s3 =	ssub.s32 @!p1 $0x5000, s20;
	s2 =	smul.u32 @!p1 $0x1E000, s4  }
0x51: {  	p2 =	slt.s32 @!p1 s3, $0xF0  }
0x52: {  	p2 =	por !p2, p1;
	s0 =	sshrl.u32 @!p1 s0, $0x2;
	s2 =	sshrl.u32 @!p1 s2, $0x2  }
0x53: {  	s3 =	simm.s32 @p2 $0xF0;
	s0 =	sadd.s32 @!p1 $0x10248, s0;
	s2 =	sor.u32 @!p1 $0x106F8, s2  }
0x54: {  	[tilespmem:s2], [sflag:$0x9] =	stream.indirect.gather @!p1 [hbm4b:s6+s3], $0x80, s0, s3, $0xb8;
	[tilespmem:$0x1F6F8] =	vst v63  }
0x55: {  	p1 =	slt.u32 s21, $0x2  }
.Ltmp3:
0x56: {  	_ = 	snop;
	(pc) =	sbr.rel @p1 .LBB2_21-.Ltmp3, $1  }
0x57: {  	_ =	sdelay $0x3  }
0x58: {  	p1 =	sgt.s32 s22, $0x4F10  }
0x59: {  	s0 =	smov.u32 s22;
	s2 =	sshra.s32 s22, $0x1F;
	s3 =	ssub.s32 $0x5000, s22  }
0x5a: {  	s0 =	simm.s32 @!p1 $0x4F10;
	s2 =	sand.u32 s2, s22;
	p1 =	slt.s32 s3, $0xF0  }
0x5b: {  	s0 =	ssub.s32 s0, s2;
	s3 =	simm.s32 @!p1 $0xF0  }
0x5c: {  	s0 =	sadd.s32 $0xFFFFB0F0, s0;
	s25 =	sshll.u32 s3, $0x7  }
0x5d: {  	s26 =	sshll.u32 s0, $0x2;
	s2 =	sand.u32 $0x3FFFFF80, s25  }
0x5e: {  	p1 =	sgt.s32 s0, $0xEF;
	s29 =	ssub.s32 $0x3C0, s26;
	_ =	swait.ge [sflag:s10], s2  }
0x5f: {  	s2 =	ssub.s32 $0x0, s2;
	[sflag:s10] =	ssyncset.done $0x0;
	s0 =	sshrl.u32 s29, $0x2  }
0x60: {  	[sflag:s10] =	ssyncadd.s32 s2;
	s0 =	simm.s32 @p1 $0x0  }
0x61: {  	_ =	swait.ge [sflag:s11], s0  }
0x62: {  	s0 =	ssub.s32 $0x0, s0;
	[sflag:s11] =	ssyncset.done $0x0  }
0x63: {  	[sflag:s11] =	ssyncadd.s32 s0  }
0x64: {  	v1 =	vld [tilespmem:$0xF208];
	_ =	sdelay $0x4  }
0x65: {  	(v2sf) =	vpush v1, $0x0  }
0x66: {  	(v2sf) =	vpush v1, $0x1  }
0x67: {  	(v2sf) =	vpush v1, $0x2;
	_ =	sdelay $0x3  }
0x68: {  	s0 =	sadd.s32 $0xF0, s22  }
0x69: {  	s2 =	ssub.s32 $0xA000, s22;
	p1 =	slt.s32 s8, s0  }
0x6a: {  	s0 =	smov.u32 @p1 s8;
	p1 =	sgt.s32 s2, $0x0  }
0x6b: {  	s26 =	ssub.s32 s0, s22;
	s2 =	simm.s32 @!p1 $0x0  }
0x6c: {  	p1 =	slt.s32 s2, s26  }
0x6d: {  	s26 =	smov.u32 @p1 s2  }
0x6e: {  	s25 =	simm.s32 $0x1;
	p1 =	slt.s32 s26, $0x1  }
.Ltmp4:
0x6f: {  	s25 =	simm.s32 @!p0 $0x0;
	(pc) =	sbr.rel @p1 .LBB2_8-.Ltmp4, $4  }
0x70: {  	s31 =	smul.u32 $0x3C0, s25  }
0x71: {  	s28 =	spop (v2sf)  }
0x72: {  	s0 =	sshrl.u32 s31, $0x2;
	s30 =	spop (v2sf)  }
0x73: {  	s23 =	sadd.s32 $0x10518, s0;
	s22 =	spop (v2sf)  }
0x74: {  	s0 =	smin.u32 s26, $0x10  }
0x75: {  	v1 =	vmov s0  }
0x76: {  	p2 =	sgt.s32 s26, $0x10;
	vm1 =	vgt.u32 v1, v0  }
.Ltmp5:
0x77: {  	_ = 	snop;
	(pc) =	sbr.rel @!p2 .LBB2_7-.Ltmp5, $2  }
0x78: {  	_ =	sdelay $0x2  }
0x79: {  	s4 =	simm.s32 $0x10;
	s24 =	sadd.s32 $0xFFFFFFF0, s26;
	s0 =	smov.u32 s23;
	vm0 =	vmmov vm1  }
.LBB2_6:
0x7a: {  	s2 =	smin.u32 s24, $0x10;
	s4 =	sadd.s32 $0x10, s4;
	v1 =	vld.msk [tilespmem:s0+$0x0 ss:$0x1], vm1  }
0x7b: {  	v2 =	vmov s2;
	p2 =	slt.s32 s4, s26  }
0x7c: {  	vm1 =	vgt.u32 v2, v0  }
.Ltmp6:
0x7d: {  	(pc) =	sbr.rel @p2 .LBB2_6-.Ltmp6, $3  }
0x7e: {  	_ =	sdelay $0x1  }
0x7f: {  	v1 =	vshll.u32 v1, $0x4  }
0x80: {  	s24 =	sadd.s32 $0xFFFFFFF0, s24;
	[tilespmem:s0+$0x0] =	vst.msk vm0, v1;
	s0 =	sadd.s32 $0x10, s0;
	vm0 =	vmmov vm1  }
.LBB2_7:
0x81: {  	_ =	sdelay $0x4  }
0x82: {  	v1 =	vld.msk [tilespmem:s0+$0x0 ss:$0x1], vm1;
	_ =	sdelay $0x4  }
0x83: {  	v1 =	vshll.u32 v1, $0x4  }
0x84: {  	[tilespmem:s0+$0x0] =	vst.msk vm0, v1  }
.LBB2_8:
0x85: {  	s0 =	sand.u32 $0x1, s21  }
0x86: {  	s0 =	smul.u32 $0xF0, s0  }
0x87: {  	p2 =	sne.s32 s30, $0xFFFFFFFF  }
0x88: {  	v1 =	vld.msk @!p2 [tilespmem:s0+$0x10518], $0x1;
	_ =	sdelay $0x4  }
0x89: {  	(v2sf) =	vpush @!p2 v1, $0x0;
	_ =	sdelay $0xc  }
.Ltmp7:
0x8a: {  	_ = 	snop;
	(pc) =	sbr.rel @p1 .LBB2_19-.Ltmp7, $4  }
0x8b: {  	_ = 	snop  }
0x8c: {  	s29 =	spop @!p2 (v2sf)  }
0x8d: {  	s22 =	simm.s32 @!p2 $0x0;
	s24 =	smov.u32 s29  }
0x8e: {  	[sflag:s18] =	ssyncpa.u1 $0x0;
	s29 =	smov.u32 @p2 s28;
	s24 =	smov.u32 @p2 s30  }
0x8f: {  	v1 =	vld.msk [tilespmem:s23+$0x0], $0x1;
	_ =	sdelay $0x4  }
0x90: {  	(v2sf) =	vpush v1, $0x0;
	_ =	sdelay $0xe  }
0x91: {  	s2 =	smul.u32 $0x1E000, s25;
	s0 =	spop (v2sf)  }
0x92: {  	s26 =	ssub.s32 $0x0, s26;
	p1 =	seq.s32 s29, s0  }
0x93: {  	s30 =	sadd.s32 $0x1, s26;
	s2 =	sshrl.u32 s2, $0x2;
	p2 =	sgt.s32 @!p1 s29, $0x0  }
0x94: {  	s25 =	sor.u32 $0x10738, s2;
	s2 =	smov.u32 s29;
	p2 =	por !p2, p1  }
0x95: {  	s2 =	simm.s32 @p2 $0x0;
	p2 =	seq.s32 s30, $0x0  }
.Ltmp8:
0x96: {  	_ = 	snop;
	(pc) =	sbr.rel @p2 .LBB2_11-.Ltmp8, $4  }
0x97: {  	_ = 	snop  }
0x98: {  	s28 =	simm.s32 $0x0;
	s31 =	sadd.s32 $0x1, s23;
	s2 =	smin.u32 @!p1 s2, $0x1FFFF0  }
0x99: {  	s4 =	simm.s32 @!p1 $0x1;
	s5 =	simm.s32 @!p1 $0x7988;
	s3 =	sand.u32 @!p1 $0x1FFFF8, s2  }
0x9a: {  	s4 =	smov.u32 @p1 s28;
	s2 =	sand.u32 @!p1 $0x7, s2;
	s3 =	sadd.s32 @!p1 s1, s3  }
.LBB2_10:
0x9b: {  	s9 =	smov.u32 s4  }
0x9c: {  	[tilespmem:s5], [sflag:$0x2] =	stream.linear.gather @!p1 [hbm4b:s3+s2], $0x80, $0x38;
	[tilespmem:$0x1F6F8] =	vst v63  }
0x9d: {  	s30 =	sadd.s32 $0x1, s30;
	s2 =	smov.u32 s0;
	v1 =	vld.msk [tilespmem:s31+$0x0], $0x1  }
0x9e: {  	p2 =	seq.s32 s30, $0x0;
	_ =	sdelay $0x3  }
0x9f: {  	(v2sf) =	vpush v1, $0x0;
	_ =	sdelay $0xe  }
0xa0: {  	s0 =	spop (v2sf)  }
0xa1: {  	p1 =	seq.s32 s2, s0  }
0xa2: {  	p3 =	sgt.s32 @!p1 s2, $0x0;
	s3 =	sshll.u32 @!p1 s4, $0x9;
	s4 =	sadd.s32 @!p1 $0x1, s4  }
.Ltmp9:
0xa3: {  	p3 =	por !p3, p1;
	s3 =	sshra.s32 @!p1 s3, $0x2;
	(pc) =	sbr.rel @!p2 .LBB2_10-.Ltmp9, $4  }
0xa4: {  	s4 =	smov.u32 @p1 s9;
	s2 =	simm.s32 @p3 $0x0;
	s5 =	sadd.s32 @!p1 $0x7988, s3  }
0xa5: {  	s2 =	smin.u32 @!p1 s2, $0x1FFFF0  }
0xa6: {  	s3 =	sand.u32 @!p1 $0x1FFFF8, s2;
	s2 =	sand.u32 @!p1 $0x7, s2  }
0xa7: {  	s31 =	sadd.s32 $0x1, s31;
	s3 =	sadd.s32 @!p1 s1, s3  }
.LBB2_11:
0xa8: {  	[tilespmem:s5], [sflag:$0x2] =	stream.linear.gather @!p1 [hbm4b:s3+s2], $0x80, $0x38;
	[tilespmem:$0x1F6F8] =	vst v63  }
.Ltmp10:
0xa9: {  	s0 =	sshll.u32 s4, $0x7;
	(pc) =	sbr.rel .LBB2_12-.Ltmp10, $4  }
0xaa: {  	s30 =	simm.s32 $0x2;
	s0 =	sand.u32 $0x3FFFFF80, s0  }
0xab: {  	_ =	swait.ge [sflag:s30], s0  }
0xac: {  	s0 =	ssub.s32 $0x0, s0;
	[sflag:s30] =	ssyncset.done $0x0  }
0xad: {  	s31 =	simm.s32 $0x0;
	[sflag:s30] =	ssyncadd.s32 s0  }
.LBB2_13:
0xae: {  	v1 =	vld [tilespmem:s25+$0xFFFFFFC0];
	_ =	sdelay $0x3  }
0xaf: {  	s0 =	sshra.s32 s0, $0x2  }
0xb0: {  	[tilespmem:s0+$0x108] =	vst.add.f32.msk $0xffff, v1  }
0xb1: {  	v1 =	vld [tilespmem:s25+$0xFFFFFFD0];
	_ =	sdelay $0x4  }
0xb2: {  	[tilespmem:s0+$0x118] =	vst.add.f32.msk $0xffff, v1  }
0xb3: {  	v1 =	vld [tilespmem:s25+$0xFFFFFFE0];
	_ =	sdelay $0x4  }
0xb4: {  	[tilespmem:s0+$0x128] =	vst.add.f32.msk $0xffff, v1  }
0xb5: {  	v1 =	vld [tilespmem:s25+$0xFFFFFFF0];
	_ =	sdelay $0x4  }
0xb6: {  	[tilespmem:s0+$0x138] =	vst.add.f32.msk $0xffff, v1  }
0xb7: {  	v1 =	vld [tilespmem:s25+$0x0];
	_ =	sdelay $0x4  }
0xb8: {  	[tilespmem:s0+$0x148] =	vst.add.f32.msk $0xffff, v1  }
0xb9: {  	v1 =	vld [tilespmem:s25+$0x10];
	_ =	sdelay $0x4  }
0xba: {  	[tilespmem:s0+$0x158] =	vst.add.f32.msk $0xffff, v1  }
0xbb: {  	v1 =	vld [tilespmem:s25+$0x20];
	_ =	sdelay $0x4  }
0xbc: {  	[tilespmem:s0+$0x168] =	vst.add.f32.msk $0xffff, v1  }
0xbd: {  	v1 =	vld [tilespmem:s25+$0x30];
	_ =	sdelay $0x4  }
0xbe: {  	[tilespmem:s0+$0x178] =	vst.add.f32.msk $0xffff, v1  }
.LBB2_17:
0xbf: {  	s26 =	sadd.s32 $0x1, s26  }
0xc0: {  	p1 =	seq.s32 s26, $0x0  }
.Ltmp11:
0xc1: {  	_ = 	snop;
	(pc) =	sbr.rel @p1 .LBB2_18-.Ltmp11, $2  }
0xc2: {  	_ =	sdelay $0x2  }
0xc3: {  	s23 =	sadd.s32 $0x1, s23;
	s25 =	sadd.s32 $0x80, s25;
	s29 =	smov.u32 s30  }
.LBB2_12:
0xc4: {  	v1 =	vld.msk [tilespmem:s23+$0x0], $0x1;
	_ =	sdelay $0x4  }
0xc5: {  	(v2sf) =	vpush v1, $0x0;
	_ =	sdelay $0xe  }
0xc6: {  	s30 =	spop (v2sf)  }
0xc7: {  	p1 =	sne.s32 s29, s30  }
.Ltmp12:
0xc8: {  	_ = 	snop;
	(pc) =	sbr.rel @!p1 .LBB2_13-.Ltmp12, $2  }
0xc9: {  	_ =	sdelay $0x2  }
0xca: {  	s0 =	sshll.u32 s22, $0x9  }
0xcb: {  	p1 =	seq.s32 s29, s24  }
.Ltmp13:
0xcc: {  	_ = 	snop;
	(pc) =	sbr.rel @!p1 .LBB2_15-.Ltmp13, $1  }
0xcd: {  	_ =	sdelay $0x3  }
0xce: {  	s0 =	sshra.s32 s0, $0x2  }
.Ltmp14:
0xcf: {  	s0 =	sadd.s32 $0x108, s0;
	(pc) =	sbr.rel .LBB2_16-.Ltmp14, $4  }
0xd0: {  	[spmem:s16] =	stream.linear.scatter [tilespmem:s0], [sflag:$0x1], $0x80, $0x38;
	[tilespmem:$0x1F6F8] =	vst v63  }
0xd1: {  	_ =	swait.ge [sflag:s12], $0x80  }
0xd2: {  	[sflag:s12] =	ssyncset.done $0x0  }
0xd3: {  	[sflag:s12] =	ssyncadd.s32 $0xFFFFFF80  }
.LBB2_15:
0xd4: {  	s2 =	sshll.u32 s28, $0x9  }
0xd5: {  	s2 =	sshra.s32 s2, $0x2  }
0xd6: {  	v1 =	vld [tilespmem:s2+$0x7988];
	_ =	sdelay $0x3  }
0xd7: {  	s0 =	sshra.s32 s0, $0x2  }
0xd8: {  	[tilespmem:s0+$0x108] =	vst.add.f32.msk $0xffff, v1  }
0xd9: {  	v1 =	vld [tilespmem:s2+$0x7998];
	_ =	sdelay $0x4  }
0xda: {  	[tilespmem:s0+$0x118] =	vst.add.f32.msk $0xffff, v1  }
0xdb: {  	v1 =	vld [tilespmem:s2+$0x79A8];
	_ =	sdelay $0x4  }
0xdc: {  	[tilespmem:s0+$0x128] =	vst.add.f32.msk $0xffff, v1  }
0xdd: {  	v1 =	vld [tilespmem:s2+$0x79B8];
	_ =	sdelay $0x4  }
0xde: {  	[tilespmem:s0+$0x138] =	vst.add.f32.msk $0xffff, v1  }
0xdf: {  	v1 =	vld [tilespmem:s2+$0x79C8];
	_ =	sdelay $0x4  }
0xe0: {  	[tilespmem:s0+$0x148] =	vst.add.f32.msk $0xffff, v1  }
0xe1: {  	v1 =	vld [tilespmem:s2+$0x79D8];
	_ =	sdelay $0x4  }
0xe2: {  	[tilespmem:s0+$0x158] =	vst.add.f32.msk $0xffff, v1  }
0xe3: {  	v1 =	vld [tilespmem:s2+$0x79E8];
	_ =	sdelay $0x4  }
0xe4: {  	[tilespmem:s0+$0x168] =	vst.add.f32.msk $0xffff, v1  }
0xe5: {  	v1 =	vld [tilespmem:s2+$0x79F8];
	_ =	sdelay $0x2  }
0xe6: {  	p1 =	sgt.u32 s29, $0x1FFFF0  }
0xe7: {  	s2 =	sand.u32 @!p1 $0x1FFFF8, s29  }
0xe8: {  	s3 =	sadd.s32 $0x108, s0;
	[tilespmem:s0+$0x178] =	vst.add.f32.msk $0xffff, v1;
	s0 =	sadd.s32 @!p1 s1, s2;
	s2 =	sand.u32 @!p1 $0x7, s29  }
0xe9: {  	[hbm4b:s0+s2] =	stream.linear.scatter @!p1 [tilespmem:s3], [sflag:$0xC], $0x80, $0x38;
	[tilespmem:$0x1F6F8] =	vst v63  }
0xea: {  	s0 =	simm.s32 $0x0  }
0xeb: {  	s0 =	simm.s32 @!p1 $0x200  }
0xec: {  	s31 =	sadd.s32 s0, s31  }
.LBB2_16:
0xed: {  	s0 =	sadd.s32 $0x1, s22  }
0xee: {  	s2 =	smulhi.u32 $0x88888889, s0;
	_ =	sdelay $0x1  }
0xef: {  	v1 =	vld [tilespmem:s25+$0xFFFFFFC0];
	s2 =	sshrl.u32 s2, $0x7  }
0xf0: {  	s2 =	smul.u32 $0xF0, s2;
	_ =	sdelay $0x1  }
0xf1: {  	s22 =	ssub.s32 s0, s2  }
0xf2: {  	s0 =	sshll.u32 s22, $0x7  }
0xf3: {  	[tilespmem:s0+$0x108] =	vst v1  }
0xf4: {  	v1 =	vld [tilespmem:s25+$0xFFFFFFD0];
	_ =	sdelay $0x4  }
0xf5: {  	[tilespmem:s0+$0x118] =	vst v1  }
0xf6: {  	v1 =	vld [tilespmem:s25+$0xFFFFFFE0];
	_ =	sdelay $0x4  }
0xf7: {  	[tilespmem:s0+$0x128] =	vst v1  }
0xf8: {  	v1 =	vld [tilespmem:s25+$0xFFFFFFF0];
	_ =	sdelay $0x4  }
0xf9: {  	[tilespmem:s0+$0x138] =	vst v1  }
0xfa: {  	v1 =	vld [tilespmem:s25+$0x0];
	_ =	sdelay $0x4  }
0xfb: {  	[tilespmem:s0+$0x148] =	vst v1  }
0xfc: {  	v1 =	vld [tilespmem:s25+$0x10];
	_ =	sdelay $0x4  }
0xfd: {  	[tilespmem:s0+$0x158] =	vst v1  }
0xfe: {  	v1 =	vld [tilespmem:s25+$0x20];
	_ =	sdelay $0x4  }
0xff: {  	[tilespmem:s0+$0x168] =	vst v1  }
0x100: {  	v1 =	vld [tilespmem:s25+$0x30]  }
.Ltmp15:
0x101: {  	_ = 	snop;
	(pc) =	sbr.rel .LBB2_17-.Ltmp15, $2  }
0x102: {  	_ =	sdelay $0x2  }
0x103: {  	s28 =	sadd.s32 $0x1, s28;
	[tilespmem:s0+$0x178] =	vst v1  }
.LBB2_19:
.Ltmp16:
0x104: {  	(pc) =	sbr.rel .LBB2_20-.Ltmp16, $4  }
0x105: {  	_ = 	snop  }
0x106: {  	s0 =	simm.s32 $0x2  }
0x107: {  	_ =	swait.ge [sflag:s0], $0x0  }
0x108: {  	s30 =	smov.u32 s29;
	[sflag:s0] =	ssyncset.done $0x0;
	s0 =	simm.s32 $0x0  }
.LBB2_22:
0x109: {  	_ =	sfence.sel $0x180000  }
0x10a: {  	s0 =	simm.s32 $0x9;
	[bflag:$0x0] =	sbarrier.arrive $0xFFFF  }
0x10b: {  	s24 =	simm.s32 $0xA;
	[sflag:s0] =	ssyncpa.u1 $0x1  }
0x10c: {  	s25 =	simm.s32 $0xB;
	[sflag:s24] =	ssyncpa.u1 $0x1  }
0x10d: {  	s26 =	simm.s32 $0x2;
	[sflag:s25] =	ssyncpa.u1 $0x1  }
0x10e: {  	[sflag:s26] =	ssyncpa.u1 $0x1  }
0x10f: {  	v0 =	vld [tilespmem:$0xF208];
	_ =	sdelay $0x4  }
0x110: {  	(v2sf) =	vpush v0, $0x0  }
0x111: {  	(v2sf) =	vpush v0, $0x1;
	_ =	sdelay $0x1  }
0x112: {  	(v2sf) =	vpush v0, $0x2;
	_ =	sdelay $0xb  }
0x113: {  	s0 =	spop (v2sf)  }
0x114: {  	s2 =	spop (v2sf)  }
0x115: {  	s3 =	smov.u32 s0;
	p0 =	sne.s32 s0, s2  }
0x116: {  	s4 =	spop (v2sf);
	s3 =	simm.s32 @!p0 $0xFFFFFFFF  }
0x117: {  	v2 =	vimm.s32 $0x1;
	v3 =	vlaneseq.u32;
	p0 =	seq.s32 s4, $0xFFFFFFFF;
	v1 =	vmov s3  }
0x118: {  	s16 =	stileid.u32;
	v0 =	vperm.xlane v0, v2;
	p1 =	sne.s32 @!p0 s0, s2;
	v1 =	vperm.xlane v1, v3  }
0x119: {  	vm0 =	vcmask $0x3F04;
	s6 =	simm.s32 $0xF208;
	s0 =	simm.s32 @!p0 $0x1;
	p1 =	por !p1, p0  }
0x11a: {  	s3 =	sshll.u32 s16, $0x1;
	s2 =	sshll.u32 @!p0 s4, $0x9;
	s0 =	simm.s32 @p1 $0x0;
	v0 =	vsel vm0, v1, v0  }
0x11b: {  	s5 =	sor.u32 $0x1000, s3;
	s2 =	sshra.s32 @!p0 s2, $0x2;
	s0 =	sor.u32 @!p0 s0, s3;
	[tilespmem:$0xF208] =	vst v0  }
0x11c: {  	[spmem:s5] =	stream.linear.scatter [tilespmem:s6], [sflag:$0x1], $0x2, $0x38;
	[tilespmem:$0x1F6F8] =	vst v63  }
0x11d: {  	s2 =	sadd.s32 @!p0 $0x108, s2;
	s0 =	sshll.u32 @!p0 s0, $0x7  }
0x11e: {  	[spmem:s0] =	stream.linear.scatter @!p0 [tilespmem:s2], [sflag:$0x1], $0x80, $0x38;
	[tilespmem:$0x1F6F8] =	vst v63  }
0x11f: {  	s0 =	simm.s32 @!p0 $0x82  }
0x120: {  	s28 =	simm.s32 $0x1;
	s0 =	simm.s32 @p0 $0x2  }
0x121: {  	_ =	swait.ge [sflag:s28], s0  }
0x122: {  	s0 =	ssub.s32 $0x0, s0;
	[sflag:s28] =	ssyncset.done $0x0  }
0x123: {  	p0 =	sne.s32 s16, $0x0;
	[sflag:s28] =	ssyncadd.s32 s0  }
.Ltmp17:
0x124: {  	_ =	sfence.stream.spmem;
	(pc) =	sbr.rel @p0 .LBB2_39-.Ltmp17, $4  }
0x125: {  	s29 =	simm.s32 $0x3;
	[bflag:$0x0] =	sbarrier.arrive $0xFFFF  }
0x126: {  	s30 =	simm.s32 $0x4;
	[sflag:s29] =	ssyncpa.u1 $0x1  }
0x127: {  	s31 =	simm.s32 $0x3C;
	[sflag:s30] =	ssyncpa.u1 $0x1  }
0x128: {  	s15 =	rddreg [dreg:$0x4];
	[sflag:s31] =	ssyncpa.u1 $0x1  }
0x129: {  	_ =	sfence.stream.spmem;
	s0 =	simm.s32 $0x5  }
0x12a: {  	s2 =	simm.s32 $0x1000;
	s3 =	simm.s32 $0xF218;
	[sflag:s0] =	ssyncpa.u1 $0x0  }
0x12b: {  	[tilespmem:s3], [sflag:$0x5] =	stream.linear.gather [spmem:s2], $0x20, $0x38;
	[tilespmem:$0x1F6F8] =	vst v63  }
0x12c: {  	s26 =	simm.s32 $0x0;
	s28 =	simm.s32 $0xF238  }
0x12d: {  	[tilespmem:s28], [sflag:$0x5] =	stream.linear.gather [spmem:s26], $0x1000, $0x38;
	[tilespmem:$0x1F6F8] =	vst v63  }
0x12e: {  	_ =	swait.ge [sflag:s0], $0x1020  }
0x12f: {  	[sflag:s0] =	ssyncset.done $0x0  }
0x130: {  	s29 =	simm.s32 $0x0;
	[sflag:s0] =	ssyncadd.s32 $0xFFFFEFE0  }
0x131: {  	v0 =	vld.msk [tilespmem:s29+$0xF218], $0x1;
	_ =	sdelay $0x1  }
0x132: {  	s30 =	simm.s32 $0x1  }
0x133: {  	v1 =	vld.msk [tilespmem:s30+$0xF218], $0x1;
	_ =	sdelay $0x1  }
0x134: {  	(v2sf) =	vpush v0, $0x0;
	_ =	sdelay $0x2  }
0x135: {  	(v2sf) =	vpush v1, $0x0;
	_ =	sdelay $0x2  }
0x136: {  	s31 =	simm.s32 $0x2  }
0x137: {  	v0 =	vld.msk [tilespmem:s31+$0xF218], $0x1;
	_ =	sdelay $0x2  }
0x138: {  	s4 =	simm.s32 $0xFFFFFFFF;
	s5 =	simm.s32 $0xFFFFFFFF;
	s0 =	simm.s32 $0xC  }
.LBB2_24:
0x139: {  	s2 =	smov.u32 s5;
	s3 =	smov.u32 s4  }
0x13a: {  	s4 =	sshra.s32 s0, $0x2;
	p1 =	sne.s32 s0, $0x7C;
	s0 =	sadd.s32 $0x4, s0;
	(v2sf) =	vpush v0, $0x0  }
0x13b: {  	v0 =	vld.msk [tilespmem:s4+$0xF218], $0x1  }
.Ltmp18:
0x13c: {  	(pc) =	sbr.rel @p1 .LBB2_24-.Ltmp18, $4  }
0x13d: {  	s5 =	spop (v2sf)  }
0x13e: {  	p2 =	sne.s32 s3, $0xFFFFFFFF;
	s4 =	smov.u32 s5  }
0x13f: {  	p3 =	seq.s32 s5, $0xFFFFFFFF;
	s4 =	smov.u32 @p2 s3  }
0x140: {  	s5 =	smov.u32 @p3 s2;
	s4 =	smov.u32 @p3 s3  }
0x141: {  	(v2sf) =	vpush v0, $0x0;
	_ =	sdelay $0x8  }
0x142: {  	s0 =	spop (v2sf)  }
0x143: {  	p1 =	sne.s32 s4, $0xFFFFFFFF;
	s2 =	smov.u32 s0  }
0x144: {  	s9 =	simm.s32 $0x6;
	p2 =	seq.s32 s0, $0xFFFFFFFF;
	s2 =	smov.u32 @p1 s4  }
0x145: {  	s6 =	simm.s32 $0x0;
	s2 =	smov.u32 @p2 s4;
	s3 =	spop (v2sf)  }
0x146: {  	s0 =	smov.u32 @p2 s5;
	p1 =	sne.s32 s2, $0xFFFFFFFF;
	s4 =	smov.u32 s3  }
.Ltmp19:
0x147: {  	p2 =	seq.s32 s3, $0xFFFFFFFF;
	s4 =	smov.u32 @p1 s2;
	(pc) =	sbr.rel .LBB2_26-.Ltmp19, $4  }
0x148: {  	s10 =	simm.s32 $0xF188;
	s4 =	smov.u32 @p2 s2;
	s7 =	spop (v2sf)  }
0x149: {  	s11 =	simm.s32 $0x0;
	p1 =	sne.s32 s4, $0xFFFFFFFF;
	s8 =	smov.u32 s7  }
0x14a: {  	s3 =	smov.u32 @p2 s0;
	p2 =	seq.s32 s7, $0xFFFFFFFF;
	s8 =	smov.u32 @p1 s4  }
0x14b: {  	[sflag:s9] =	ssyncpa.u1 $0x0;
	s7 =	smov.u32 @p2 s3;
	s8 =	smov.u32 @p2 s4  }
.LBB2_32:
0x14c: {  	p1 =	sgt.u32 s12, $0x1FFFF0  }
0x14d: {  	p2 =	seq.s32 @!p1 s12, s8  }
0x14e: {  	p1 =	por p1, p2  }
0x14f: {  	p2 =	sne.s32 @!p1 s12, s7  }
0x150: {  	p1 =	por p1, !p2  }
0x151: {  	s0 =	sshll.u32 @p1 s11, $0x9  }
0x152: {  	s0 =	sand.u32 @!p1 $0x1FFFF8, s12  }
0x153: {  	s2 =	sand.u32 @!p1 $0x7, s12;
	s0 =	sadd.s32 @!p1 s1, s0  }
0x154: {  	[tilespmem:s10], [sflag:$0x6] =	stream.linear.gather @!p1 [hbm4b:s0+s2], $0x80, $0x38;
	[tilespmem:$0x1F6F8] =	vst v63  }
0x155: {  	_ =	swait.ge @!p1 [sflag:s9], $0x80  }
0x156: {  	[sflag:s9] =	ssyncset.done @!p1 $0x0  }
0x157: {  	[sflag:s9] =	ssyncadd.s32 @!p1 $0xFFFFFF80  }
0x158: {  	v1 =	vld @!p1 [tilespmem:$0xF188];
	_ =	sdelay $0x2  }
0x159: {  	s0 =	sshll.u32 @!p1 s11, $0x9  }
0x15a: {  	s2 =	sshrl.u32 @!p1 s0, $0x2  }
0x15b: {  	[tilespmem:s2+$0xF238] =	vst.add.f32.msk @!p1 $0xffff, v1  }
0x15c: {  	v1 =	vld @!p1 [tilespmem:$0xF198];
	_ =	sdelay $0x4  }
0x15d: {  	[tilespmem:s2+$0xF248] =	vst.add.f32.msk @!p1 $0xffff, v1  }
0x15e: {  	v1 =	vld @!p1 [tilespmem:$0xF1A8];
	_ =	sdelay $0x4  }
0x15f: {  	[tilespmem:s2+$0xF258] =	vst.add.f32.msk @!p1 $0xffff, v1  }
0x160: {  	v1 =	vld @!p1 [tilespmem:$0xF1B8];
	_ =	sdelay $0x4  }
0x161: {  	[tilespmem:s2+$0xF268] =	vst.add.f32.msk @!p1 $0xffff, v1  }
0x162: {  	v1 =	vld @!p1 [tilespmem:$0xF1C8];
	_ =	sdelay $0x4  }
0x163: {  	[tilespmem:s2+$0xF278] =	vst.add.f32.msk @!p1 $0xffff, v1  }
0x164: {  	v1 =	vld @!p1 [tilespmem:$0xF1D8];
	_ =	sdelay $0x4  }
0x165: {  	[tilespmem:s2+$0xF288] =	vst.add.f32.msk @!p1 $0xffff, v1  }
0x166: {  	v1 =	vld @!p1 [tilespmem:$0xF1E8];
	_ =	sdelay $0x4  }
0x167: {  	[tilespmem:s2+$0xF298] =	vst.add.f32.msk @!p1 $0xffff, v1  }
0x168: {  	v1 =	vld @!p1 [tilespmem:$0xF1F8];
	_ =	sdelay $0x4  }
0x169: {  	[tilespmem:s2+$0xF2A8] =	vst.add.f32.msk @!p1 $0xffff, v1  }
0x16a: {  	s0 =	sshrl.u32 s0, $0x2;
	[tilespmem:s6+$0xF218] =	vst.msk $0x1, v0  }
0x16b: {  	v0 =	vld [tilespmem:s0+$0xF238];
	_ =	sdelay $0x2  }
0x16c: {  	s31 =	sshll.u32 s6, $0x9  }
0x16d: {  	s2 =	sshra.s32 s31, $0x2  }
0x16e: {  	[tilespmem:s2+$0xF238] =	vst v0  }
0x16f: {  	v0 =	vld [tilespmem:s0+$0xF248];
	_ =	sdelay $0x4  }
0x170: {  	[tilespmem:s2+$0xF248] =	vst v0  }
0x171: {  	v0 =	vld [tilespmem:s0+$0xF258];
	_ =	sdelay $0x4  }
0x172: {  	[tilespmem:s2+$0xF258] =	vst v0  }
0x173: {  	v0 =	vld [tilespmem:s0+$0xF268];
	_ =	sdelay $0x4  }
0x174: {  	[tilespmem:s2+$0xF268] =	vst v0  }
0x175: {  	v0 =	vld [tilespmem:s0+$0xF278];
	_ =	sdelay $0x4  }
0x176: {  	[tilespmem:s2+$0xF278] =	vst v0  }
0x177: {  	v0 =	vld [tilespmem:s0+$0xF288];
	_ =	sdelay $0x4  }
0x178: {  	[tilespmem:s2+$0xF288] =	vst v0  }
0x179: {  	v0 =	vld [tilespmem:s0+$0xF298];
	_ =	sdelay $0x4  }
0x17a: {  	[tilespmem:s2+$0xF298] =	vst v0  }
0x17b: {  	v0 =	vld [tilespmem:s0+$0xF2A8];
	_ =	sdelay $0x4  }
0x17c: {  	s6 =	sadd.s32 $0x1, s6;
	[tilespmem:s2+$0xF2A8] =	vst v0  }
.LBB2_33:
0x17d: {  	s11 =	sadd.s32 $0x1, s11  }
0x17e: {  	p1 =	sne.s32 s11, $0x20  }
.Ltmp20:
0x17f: {  	_ = 	snop;
	(pc) =	sbr.rel @!p1 .LBB2_34-.Ltmp20, $1  }
0x180: {  	_ =	sdelay $0x3  }
.LBB2_26:
0x181: {  	v0 =	vld.msk [tilespmem:s11+$0xF218], $0x1;
	_ =	sdelay $0x4  }
0x182: {  	(v2sf) =	vpush v0, $0x0;
	_ =	sdelay $0xe  }
0x183: {  	s12 =	spop (v2sf)  }
0x184: {  	p1 =	seq.s32 s12, $0xFFFFFFFF  }
.Ltmp21:
0x185: {  	_ = 	snop;
	(pc) =	sbr.rel @p1 .LBB2_33-.Ltmp21, $1  }
0x186: {  	_ =	sdelay $0x3  }
0x187: {  	p1 =	slt.s32 s6, $0x1  }
.Ltmp22:
0x188: {  	_ = 	snop;
	(pc) =	sbr.rel @p1 .LBB2_32-.Ltmp22, $1  }
0x189: {  	_ =	sdelay $0x3  }
0x18a: {  	s13 =	simm.s32 $0xF218;
	p1 =	por $0x0, $0x0  }
0x18b: {  	v1 =	vld.msk @!p1 [tilespmem:s13+$0x0], $0x1;
	_ =	sdelay $0x4  }
0x18c: {  	(v2sf) =	vpush @!p1 v1, $0x0;
	_ =	sdelay $0xd  }
0x18d: {  	p3 =	sne.s32 s6, $0x1  }
.Ltmp23:
0x18e: {  	s0 =	spop @!p1 (v2sf);
	(pc) =	sbr.rel @!p3 .LBB2_30-.Ltmp23, $4  }
0x18f: {  	p2 =	seq.s32 @!p1 s12, s0  }
0x190: {  	s14 =	simm.s32 $0x0;
	p2 =	por !p2, p1  }
0x191: {  	s2 =	simm.s32 $0xFFFFFFFF;
	s14 =	simm.s32 @p2 $0xFFFFFFFF  }
0x192: {  	s0 =	simm.s32 $0x1;
	s14 =	smov.u32 @p1 s2  }
.LBB2_29:
0x193: {  	s2 =	smov.u32 s14;
	p1 =	sne.s32 s14, $0xFFFFFFFF  }
0x194: {  	s13 =	sadd.s32 $0x1, s13;
	s14 =	smov.u32 s0;
	s0 =	sadd.s32 $0x1, s0  }
0x195: {  	p2 =	sne.s32 s6, s0;
	v1 =	vld.msk @!p1 [tilespmem:s13+$0x0], $0x1;
	_ =	sdelay $0x4  }
0x196: {  	(v2sf) =	vpush @!p1 v1, $0x0;
	_ =	sdelay $0xe  }
.Ltmp24:
0x197: {  	s3 =	spop @!p1 (v2sf);
	(pc) =	sbr.rel @p2 .LBB2_29-.Ltmp24, $4  }
0x198: {  	p3 =	seq.s32 @!p1 s12, s3  }
0x199: {  	p3 =	por !p3, p1  }
0x19a: {  	s14 =	simm.s32 @p3 $0xFFFFFFFF  }
0x19b: {  	s14 =	smov.u32 @p1 s2  }
.LBB2_30:
0x19c: {  	p1 =	seq.s32 s14, $0xFFFFFFFF  }
.Ltmp25:
0x19d: {  	_ = 	snop;
	(pc) =	sbr.rel @p1 .LBB2_32-.Ltmp25, $1  }
0x19e: {  	_ =	sdelay $0x3  }
0x19f: {  	s0 =	sshll.u32 s11, $0x7  }
0x1a0: {  	s0 =	sand.u32 $0x3FFFFF80, s0  }
0x1a1: {  	v0 =	vld [tilespmem:s0+$0xF238];
	_ =	sdelay $0x2  }
0x1a2: {  	s2 =	sshll.u32 s14, $0x9  }
0x1a3: {  	s2 =	sshra.s32 s2, $0x2  }
0x1a4: {  	[tilespmem:s2+$0xF238] =	vst.add.f32.msk $0xffff, v0  }
0x1a5: {  	v0 =	vld [tilespmem:s0+$0xF248];
	_ =	sdelay $0x4  }
0x1a6: {  	[tilespmem:s2+$0xF248] =	vst.add.f32.msk $0xffff, v0  }
0x1a7: {  	v0 =	vld [tilespmem:s0+$0xF258];
	_ =	sdelay $0x4  }
0x1a8: {  	[tilespmem:s2+$0xF258] =	vst.add.f32.msk $0xffff, v0  }
0x1a9: {  	v0 =	vld [tilespmem:s0+$0xF268];
	_ =	sdelay $0x4  }
0x1aa: {  	[tilespmem:s2+$0xF268] =	vst.add.f32.msk $0xffff, v0  }
0x1ab: {  	v0 =	vld [tilespmem:s0+$0xF278];
	_ =	sdelay $0x4  }
0x1ac: {  	[tilespmem:s2+$0xF278] =	vst.add.f32.msk $0xffff, v0  }
0x1ad: {  	v0 =	vld [tilespmem:s0+$0xF288];
	_ =	sdelay $0x4  }
0x1ae: {  	[tilespmem:s2+$0xF288] =	vst.add.f32.msk $0xffff, v0  }
0x1af: {  	v0 =	vld [tilespmem:s0+$0xF298];
	_ =	sdelay $0x4  }
0x1b0: {  	[tilespmem:s2+$0xF298] =	vst.add.f32.msk $0xffff, v0  }
0x1b1: {  	v0 =	vld [tilespmem:s0+$0xF2A8]  }
.Ltmp26:
0x1b2: {  	_ = 	snop;
	(pc) =	sbr.rel .LBB2_33-.Ltmp26, $2  }
0x1b3: {  	_ =	sdelay $0x2  }
0x1b4: {  	[tilespmem:s2+$0xF2A8] =	vst.add.f32.msk $0xffff, v0  }
.LBB2_34:
0x1b5: {  	s0 =	simm.s32 $0x6;
	p1 =	seq.s32 s6, $0x0  }
0x1b6: {  	[sflag:s0] =	ssyncpa.u1 $0x1;
	v0 =	vimm.s32 @p1 $0xFFFFFFFF  }
0x1b7: {  	s9 =	sadd.s32 $0xFFFFFFFF, s6;
	[tilespmem:$0x10238] =	vst @p1 v0  }
0x1b8: {  	v0 =	vld.msk @!p1 [tilespmem:s9+$0xF218], $0x1;
	_ =	sdelay $0x1  }
0x1b9: {  	v1 =	vld.msk @!p1 [tilespmem:$0xF218], $0x1;
	_ =	sdelay $0x2  }
0x1ba: {  	p2 =	seq.s32 @!p1 s9, $0x0;
	v0 =	vbroadcast @!p1 v0, $0x0  }
0x1bb: {  	vm0 =	vmmov @!p1 $0x1;
	p2 =	por !p2, p1  }
0x1bc: {  	v1 =	vnsel @!p1 vm0, $0xFFFFFFFF, v1;
	vm0 =	vcmask @!p1 $0x308;
	v0 =	vpsel !p2, $0xFFFFFFFF, v0  }
0x1bd: {  	p2 =	sne.s32 @!p1 s8, s7;
	v0 =	vsel @!p1 vm0, v1, v0  }
0x1be: {  	s0 =	simm.s32 @!p1 $0xF238;
	s2 =	simm.s32 @!p1 $0x0;
	p3 =	por !p2, p1;
	[tilespmem:$0x10238] =	vst @!p1 v0  }
0x1bf: {  	[spmem:s2] =	stream.linear.scatter @!p1 [tilespmem:s0], [sflag:$0x1], $0x80, $0x38;
	[tilespmem:$0x1F6F8] =	vst v63  }
0x1c0: {  	s0 =	sshll.u32 @!p3 s9, $0x9  }
0x1c1: {  	s0 =	sshra.s32 @!p3 s0, $0x2  }
0x1c2: {  	s2 =	simm.s32 @!p3 $0x80;
	s0 =	sadd.s32 @!p3 $0xF238, s0  }
0x1c3: {  	[spmem:s2] =	stream.linear.scatter @!p3 [tilespmem:s0], [sflag:$0x1], $0x80, $0x38;
	[tilespmem:$0x1F6F8] =	vst v63  }
0x1c4: {  	s0 =	simm.s32 @!p3 $0x1  }
0x1c5: {  	_ =	swait.ge @!p3 [sflag:s0], $0x100  }
0x1c6: {  	p1 =	por p2, p1;
	[sflag:s0] =	ssyncset.done @!p3 $0x0  }
0x1c7: {  	[sflag:s0] =	ssyncadd.s32 @!p3 $0xFFFFFF00;
	s0 =	simm.s32 @!p1 $0x1  }
0x1c8: {  	_ =	swait.ge @!p1 [sflag:s0], $0x80  }
0x1c9: {  	s29 =	simm.s32 $0x10238;
	[sflag:s0] =	ssyncset.done @!p1 $0x0  }
0x1ca: {  	s30 =	simm.s32 $0x1000;
	s31 =	simm.s32 $0x1;
	[sflag:s0] =	ssyncadd.s32 @!p1 $0xFFFFFF80  }
0x1cb: {  	[spmem:s30] =	stream.linear.scatter [tilespmem:s29], [sflag:$0x1], $0x10, $0x38;
	[tilespmem:$0x1F6F8] =	vst v63  }
0x1cc: {  	_ =	swait.ge [sflag:s31], $0x10  }
0x1cd: {  	[sflag:s31] =	ssyncset.done $0x0  }
0x1ce: {  	p1 =	seq.s32 s15, $0x0;
	s8 =	rddreg [dreg:$0x1];
	[sflag:s31] =	ssyncadd.s32 $0xFFFFFFF0  }
0x1cf: {  	s2 =	sshll.u32 @p1 s8, $0xE;
	s7 =	rddreg [dreg:$0x2]  }
0x1d0: {  	s0 =	sadd.s32 @p1 $0x15C3C, s2;
	s2 =	sshll.u32 @p1 s7, $0x11  }
0x1d1: {  	_ =	sfence.stream.spmem;
	s0 =	sor.u32 @p1 s2, s0  }
0x1d2: {  	[sflag:s0] =	ssyncadd.remote.s32 @p1 $0x1;
	s0 =	simm.s32 @p1 $0x4  }
0x1d3: {  	s3 =	simm.s32 @!p1 $0x3C;
	s2 =	sand.u32 $0xFFFFFFFE, s8;
	_ =	swait.ge @p1 [sflag:s0], $0x22  }
0x1d4: {  	s4 =	simm.s32 @!p1 $0x0;
	s2 =	sadd.s32 @!p1 $0x4, s2;
	[sflag:s0] =	ssyncset.done @p1 $0x0  }
0x1d5: {  	s5 =	simm.s32 @!p1 $0x100;
	[sflag:s0] =	ssyncadd.s32 @p1 $0xFFFFFFDE;
	s0 =	sshll.u32 @!p1 s2, $0x1A  }
0x1d6: {  	s2 =	sshll.u32 @!p1 s2, $0xD;
	s0 =	sor.u32 @!p1 s0, s7;
	_ =	swait.eq @!p1 [sflag:s3], $0x1  }
0x1d7: {  	s2 =	sor.u32 @!p1 $0x1C04, s2;
	s3 =	simm.s32 @!p1 $0x1C03;
	s0 =	sor.u32 @!p1 $0x80004000, s0  }
0x1d8: {  	[spmem:s5], [sflag:s2] =	dma.general @!p1 [spmem:s4], [sflag:s3], length:$0x20, [dreg:$0x0], stride_count:$0x0, ici_dest:s0, dma_misc:DstOpCode:WRITE  }
0x1d9: {  	p2 =	slt.s32 s9, $0x2;
	s4 =	simm.s32 @!p1 $0x200;
	s5 =	simm.s32 @!p1 $0x202  }
0x1da: {  	[spmem:s5], [sflag:s2] =	dma.general @!p1 [spmem:s4], [sflag:s3], length:$0x2, [dreg:$0x0], stride_count:$0x0, ici_dest:s0, dma_misc:DstOpCode:WRITE  }
.Ltmp27:
0x1db: {  	s0 =	simm.s32 @!p1 $0x3;
	(pc) =	sbr.rel @p2 .LBB2_38-.Ltmp27, $4  }
0x1dc: {  	s2 =	sshll.u32 @!p1 s8, $0xE;
	_ =	swait.ge @!p1 [sflag:s0], $0x22  }
0x1dd: {  	s3 =	sshll.u32 @!p1 s7, $0x11;
	s2 =	sadd.s32 @!p1 $0x11C3C, s2;
	[sflag:s0] =	ssyncset.done @!p1 $0x0  }
0x1de: {  	[sflag:s0] =	ssyncadd.s32 @!p1 $0xFFFFFFDE;
	s0 =	sor.u32 @!p1 s3, s2  }
0x1df: {  	[sflag:s0] =	ssyncadd.remote.s32 @!p1 $0xFFFFFFFF;
	s0 =	simm.s32 $0x0  }
0x1e0: {  	s0 =	simm.s32 $0xF219  }
0x1e1: {  	v0 =	vld.msk [tilespmem:s0+$0x0], $0x1;
	_ =	sdelay $0x4  }
0x1e2: {  	(v2sf) =	vpush v0, $0x0;
	_ =	sdelay $0xb  }
0x1e3: {  	s31 =	sadd.s32 $0xFFFFFFFE, s6  }
0x1e4: {  	s0 =	sadd.s32 $0xFFFFFFFF, s31  }
0x1e5: {  	p2 =	sne.s32 s0, $0x0  }
.Ltmp28:
0x1e6: {  	s2 =	spop (v2sf);
	(pc) =	sbr.rel @!p2 .LBB2_37-.Ltmp28, $4  }
0x1e7: {  	s4 =	simm.s32 $0xF2B8;
	s7 =	simm.s32 $0x0;
	p1 =	sgt.u32 s2, $0x1FFFF0  }
0x1e8: {  	s5 =	simm.s32 $0x0;
	s6 =	simm.s32 $0xF21A;
	s3 =	sand.u32 @!p1 $0x1FFFF8, s2  }
0x1e9: {  	s2 =	sand.u32 @!p1 $0x7, s2;
	s7 =	simm.s32 @!p1 $0x200;
	s3 =	sadd.s32 @!p1 s1, s3  }
0x1ea: {  	[hbm4b:s3+s2] =	stream.linear.scatter @!p1 [tilespmem:s4], [sflag:$0x5], $0x80, $0x38;
	[tilespmem:$0x1F6F8] =	vst v63  }
.LBB2_36:
0x1eb: {  	v0 =	vld.msk [tilespmem:s6+$0x0], $0x1;
	s0 =	sadd.s32 $0xFFFFFFFF, s0;
	s5 =	sadd.s32 s5, s7  }
0x1ec: {  	p1 =	sne.s32 s0, $0x0;
	_ =	sdelay $0x3  }
0x1ed: {  	(v2sf) =	vpush v0, $0x0;
	_ =	sdelay $0xe  }
.Ltmp29:
0x1ee: {  	s2 =	spop (v2sf);
	(pc) =	sbr.rel @p1 .LBB2_36-.Ltmp29, $4  }
0x1ef: {  	s7 =	simm.s32 $0x0;
	p2 =	sgt.u32 s2, $0x1FFFF0  }
0x1f0: {  	s4 =	sadd.s32 $0x80, s4;
	s7 =	simm.s32 @!p2 $0x200;
	s3 =	sand.u32 @!p2 $0x1FFFF8, s2  }
0x1f1: {  	s6 =	sadd.s32 $0x1, s6;
	s2 =	sand.u32 @!p2 $0x7, s2;
	s3 =	sadd.s32 @!p2 s1, s3  }
0x1f2: {  	[hbm4b:s3+s2] =	stream.linear.scatter @!p2 [tilespmem:s4], [sflag:$0x5], $0x80, $0x38;
	[tilespmem:$0x1F6F8] =	vst v63  }
.LBB2_37:
0x1f3: {  	s0 =	sadd.s32 s5, s7  }
0x1f4: {  	s0 =	sshrl.u32 s0, $0x2  }
.LBB2_38:
0x1f5: {  	s2 =	simm.s32 $0x5  }
0x1f6: {  	_ =	swait.ge [sflag:s2], s0  }
0x1f7: {  	s31 =	ssub.s32 $0x0, s0;
	[sflag:s2] =	ssyncset.done $0x0  }
0x1f8: {  	[sflag:s2] =	ssyncadd.s32 s31  }
0x1f9: {  	[sflag:s2] =	ssyncpa.u1 $0x1  }
.LBB2_39:
0x1fa: {  	s0 =	sor.u32 s15, s16  }
0x1fb: {  	p1 =	sne.s32 s0, $0x0  }
.Ltmp30:
0x1fc: {  	_ = 	snop;
	(pc) =	sbr.rel @p1 .LBB2_54-.Ltmp30, $3  }
0x1fd: {  	_ =	sdelay $0x1  }
0x1fe: {  	[bflag:$0x0] =	sbarrier.arrive $0xFFFF  }
0x1ff: {  	_ =	sfence  }
0x200: {  	s0 =	simm.s32 $0x7  }
0x201: {  	s2 =	simm.s32 $0x1000;
	s3 =	simm.s32 $0xF218;
	[sflag:s0] =	ssyncpa.u1 $0x0  }
0x202: {  	[tilespmem:s3], [sflag:$0x7] =	stream.linear.gather [spmem:s2], $0x20, $0x38;
	[tilespmem:$0x1F6F8] =	vst v63  }
0x203: {  	s30 =	simm.s32 $0xF238;
	s2 =	simm.s32 $0x0  }
0x204: {  	[tilespmem:s30], [sflag:$0x7] =	stream.linear.gather [spmem:s2], $0x1000, $0x38;
	[tilespmem:$0x1F6F8] =	vst v63  }
.Ltmp31:
0x205: {  	_ = 	snop;
	(pc) =	sbr.rel .LBB2_41-.Ltmp31, $4  }
0x206: {  	_ =	swait.ge [sflag:s0], $0x1020  }
0x207: {  	[sflag:s0] =	ssyncset.done $0x0  }
0x208: {  	s31 =	simm.s32 $0x8;
	[sflag:s0] =	ssyncadd.s32 $0xFFFFEFE0  }
0x209: {  	s3 =	simm.s32 $0x0;
	[sflag:s31] =	ssyncpa.u1 $0x0  }
.LBB2_47:
0x20a: {  	p1 =	slt.u32 s4, $0x1FFFF1  }
0x20b: {  	s0 =	sand.u32 @p1 $0x1FFFF8, s4  }
0x20c: {  	s4 =	sand.u32 @p1 $0x7, s4;
	s5 =	simm.s32 @p1 $0xF188;
	s0 =	sadd.s32 @p1 s1, s0  }
0x20d: {  	[tilespmem:s5], [sflag:$0x8] =	stream.linear.gather @p1 [hbm4b:s0+s4], $0x80, $0x38;
	[tilespmem:$0x1F6F8] =	vst v63  }
0x20e: {  	s0 =	simm.s32 @p1 $0x8  }
0x20f: {  	_ =	swait.ge @p1 [sflag:s0], $0x80  }
0x210: {  	[sflag:s0] =	ssyncset.done @p1 $0x0  }
0x211: {  	[sflag:s0] =	ssyncadd.s32 @p1 $0xFFFFFF80  }
0x212: {  	v1 =	vld @p1 [tilespmem:$0xF188];
	_ =	sdelay $0x2  }
0x213: {  	s0 =	sshll.u32 @p1 s3, $0x9  }
0x214: {  	s4 =	sshrl.u32 @p1 s0, $0x2  }
0x215: {  	[tilespmem:s4+$0xF238] =	vst.add.f32.msk @p1 $0xffff, v1  }
0x216: {  	v1 =	vld @p1 [tilespmem:$0xF198];
	_ =	sdelay $0x4  }
0x217: {  	[tilespmem:s4+$0xF248] =	vst.add.f32.msk @p1 $0xffff, v1  }
0x218: {  	v1 =	vld @p1 [tilespmem:$0xF1A8];
	_ =	sdelay $0x4  }
0x219: {  	[tilespmem:s4+$0xF258] =	vst.add.f32.msk @p1 $0xffff, v1  }
0x21a: {  	v1 =	vld @p1 [tilespmem:$0xF1B8];
	_ =	sdelay $0x4  }
0x21b: {  	[tilespmem:s4+$0xF268] =	vst.add.f32.msk @p1 $0xffff, v1  }
0x21c: {  	v1 =	vld @p1 [tilespmem:$0xF1C8];
	_ =	sdelay $0x4  }
0x21d: {  	[tilespmem:s4+$0xF278] =	vst.add.f32.msk @p1 $0xffff, v1  }
0x21e: {  	v1 =	vld @p1 [tilespmem:$0xF1D8];
	_ =	sdelay $0x4  }
0x21f: {  	[tilespmem:s4+$0xF288] =	vst.add.f32.msk @p1 $0xffff, v1  }
0x220: {  	v1 =	vld @p1 [tilespmem:$0xF1E8];
	_ =	sdelay $0x4  }
0x221: {  	[tilespmem:s4+$0xF298] =	vst.add.f32.msk @p1 $0xffff, v1  }
0x222: {  	v1 =	vld @p1 [tilespmem:$0xF1F8];
	_ =	sdelay $0x3  }
0x223: {  	s5 =	sshll.u32 @!p1 s3, $0x9  }
0x224: {  	s5 =	smov.u32 @p1 s0;
	[tilespmem:s4+$0xF2A8] =	vst.add.f32.msk @p1 $0xffff, v1  }
0x225: {  	s0 =	sshrl.u32 s5, $0x2;
	[tilespmem:s2+$0xF218] =	vst.msk $0x1, v0  }
0x226: {  	v0 =	vld [tilespmem:s0+$0xF238];
	_ =	sdelay $0x2  }
0x227: {  	s31 =	sshll.u32 s2, $0x9  }
0x228: {  	s4 =	sshra.s32 s31, $0x2  }
0x229: {  	[tilespmem:s4+$0xF238] =	vst v0  }
0x22a: {  	v0 =	vld [tilespmem:s0+$0xF248];
	_ =	sdelay $0x4  }
0x22b: {  	[tilespmem:s4+$0xF248] =	vst v0  }
0x22c: {  	v0 =	vld [tilespmem:s0+$0xF258];
	_ =	sdelay $0x4  }
0x22d: {  	[tilespmem:s4+$0xF258] =	vst v0  }
0x22e: {  	v0 =	vld [tilespmem:s0+$0xF268];
	_ =	sdelay $0x4  }
0x22f: {  	[tilespmem:s4+$0xF268] =	vst v0  }
0x230: {  	v0 =	vld [tilespmem:s0+$0xF278];
	_ =	sdelay $0x4  }
0x231: {  	[tilespmem:s4+$0xF278] =	vst v0  }
0x232: {  	v0 =	vld [tilespmem:s0+$0xF288];
	_ =	sdelay $0x4  }
0x233: {  	[tilespmem:s4+$0xF288] =	vst v0  }
0x234: {  	v0 =	vld [tilespmem:s0+$0xF298];
	_ =	sdelay $0x4  }
0x235: {  	[tilespmem:s4+$0xF298] =	vst v0  }
0x236: {  	v0 =	vld [tilespmem:s0+$0xF2A8];
	_ =	sdelay $0x4  }
0x237: {  	s2 =	sadd.s32 $0x1, s2;
	[tilespmem:s4+$0xF2A8] =	vst v0  }
.LBB2_48:
0x238: {  	s3 =	sadd.s32 $0x1, s3  }
0x239: {  	p1 =	sne.s32 s3, $0x20  }
.Ltmp32:
0x23a: {  	_ = 	snop;
	(pc) =	sbr.rel @!p1 .LBB2_49-.Ltmp32, $1  }
0x23b: {  	_ =	sdelay $0x3  }
.LBB2_41:
0x23c: {  	v0 =	vld.msk [tilespmem:s3+$0xF218], $0x1;
	_ =	sdelay $0x4  }
0x23d: {  	(v2sf) =	vpush v0, $0x0;
	_ =	sdelay $0xe  }
0x23e: {  	s4 =	spop (v2sf)  }
0x23f: {  	p1 =	seq.s32 s4, $0xFFFFFFFF  }
.Ltmp33:
0x240: {  	_ = 	snop;
	(pc) =	sbr.rel @p1 .LBB2_48-.Ltmp33, $1  }
0x241: {  	_ =	sdelay $0x3  }
0x242: {  	p1 =	slt.s32 s2, $0x1  }
.Ltmp34:
0x243: {  	_ = 	snop;
	(pc) =	sbr.rel @p1 .LBB2_47-.Ltmp34, $1  }
0x244: {  	_ =	sdelay $0x3  }
0x245: {  	s5 =	simm.s32 $0xF218;
	p1 =	por $0x0, $0x0  }
0x246: {  	v1 =	vld.msk @!p1 [tilespmem:s5+$0x0], $0x1;
	_ =	sdelay $0x4  }
0x247: {  	(v2sf) =	vpush @!p1 v1, $0x0;
	_ =	sdelay $0xd  }
0x248: {  	p3 =	sne.s32 s2, $0x1  }
.Ltmp35:
0x249: {  	s0 =	spop @!p1 (v2sf);
	(pc) =	sbr.rel @!p3 .LBB2_45-.Ltmp35, $4  }
0x24a: {  	p2 =	seq.s32 @!p1 s4, s0  }
0x24b: {  	s6 =	simm.s32 $0x0;
	p2 =	por !p2, p1  }
0x24c: {  	s7 =	simm.s32 $0xFFFFFFFF;
	s6 =	simm.s32 @p2 $0xFFFFFFFF  }
0x24d: {  	s0 =	simm.s32 $0x1;
	s6 =	smov.u32 @p1 s7  }
.LBB2_44:
0x24e: {  	s7 =	smov.u32 s6;
	p1 =	sne.s32 s6, $0xFFFFFFFF  }
0x24f: {  	s5 =	sadd.s32 $0x1, s5;
	s6 =	smov.u32 s0;
	s0 =	sadd.s32 $0x1, s0  }
0x250: {  	p2 =	sne.s32 s2, s0;
	v1 =	vld.msk @!p1 [tilespmem:s5+$0x0], $0x1;
	_ =	sdelay $0x4  }
0x251: {  	(v2sf) =	vpush @!p1 v1, $0x0;
	_ =	sdelay $0xe  }
.Ltmp36:
0x252: {  	s8 =	spop @!p1 (v2sf);
	(pc) =	sbr.rel @p2 .LBB2_44-.Ltmp36, $4  }
0x253: {  	p3 =	seq.s32 @!p1 s4, s8  }
0x254: {  	p3 =	por !p3, p1  }
0x255: {  	s6 =	simm.s32 @p3 $0xFFFFFFFF  }
0x256: {  	s6 =	smov.u32 @p1 s7  }
.LBB2_45:
0x257: {  	p1 =	seq.s32 s6, $0xFFFFFFFF  }
.Ltmp37:
0x258: {  	_ = 	snop;
	(pc) =	sbr.rel @p1 .LBB2_47-.Ltmp37, $1  }
0x259: {  	_ =	sdelay $0x3  }
0x25a: {  	s0 =	sshll.u32 s3, $0x7  }
0x25b: {  	s0 =	sand.u32 $0x3FFFFF80, s0  }
0x25c: {  	v0 =	vld [tilespmem:s0+$0xF238];
	_ =	sdelay $0x2  }
0x25d: {  	s4 =	sshll.u32 s6, $0x9  }
0x25e: {  	s4 =	sshra.s32 s4, $0x2  }
0x25f: {  	[tilespmem:s4+$0xF238] =	vst.add.f32.msk $0xffff, v0  }
0x260: {  	v0 =	vld [tilespmem:s0+$0xF248];
	_ =	sdelay $0x4  }
0x261: {  	[tilespmem:s4+$0xF248] =	vst.add.f32.msk $0xffff, v0  }
0x262: {  	v0 =	vld [tilespmem:s0+$0xF258];
	_ =	sdelay $0x4  }
0x263: {  	[tilespmem:s4+$0xF258] =	vst.add.f32.msk $0xffff, v0  }
0x264: {  	v0 =	vld [tilespmem:s0+$0xF268];
	_ =	sdelay $0x4  }
0x265: {  	[tilespmem:s4+$0xF268] =	vst.add.f32.msk $0xffff, v0  }
0x266: {  	v0 =	vld [tilespmem:s0+$0xF278];
	_ =	sdelay $0x4  }
0x267: {  	[tilespmem:s4+$0xF278] =	vst.add.f32.msk $0xffff, v0  }
0x268: {  	v0 =	vld [tilespmem:s0+$0xF288];
	_ =	sdelay $0x4  }
0x269: {  	[tilespmem:s4+$0xF288] =	vst.add.f32.msk $0xffff, v0  }
0x26a: {  	v0 =	vld [tilespmem:s0+$0xF298];
	_ =	sdelay $0x4  }
0x26b: {  	[tilespmem:s4+$0xF298] =	vst.add.f32.msk $0xffff, v0  }
0x26c: {  	v0 =	vld [tilespmem:s0+$0xF2A8]  }
.Ltmp38:
0x26d: {  	_ = 	snop;
	(pc) =	sbr.rel .LBB2_48-.Ltmp38, $2  }
0x26e: {  	_ =	sdelay $0x2  }
0x26f: {  	[tilespmem:s4+$0xF2A8] =	vst.add.f32.msk $0xffff, v0  }
.LBB2_49:
0x270: {  	p1 =	slt.s32 s2, $0x1  }
.Ltmp39:
0x271: {  	_ = 	snop;
	(pc) =	sbr.rel @p1 .LBB2_53-.Ltmp39, $3  }
0x272: {  	_ =	sdelay $0x1  }
0x273: {  	s0 =	simm.s32 $0x8  }
0x274: {  	s3 =	simm.s32 $0x0;
	[sflag:s0] =	ssyncpa.u1 $0x1  }
0x275: {  	s0 =	simm.s32 $0xF218  }
0x276: {  	v0 =	vld.msk [tilespmem:s0+$0x0], $0x1;
	_ =	sdelay $0x4  }
0x277: {  	(v2sf) =	vpush v0, $0x0;
	_ =	sdelay $0xe  }
0x278: {  	s0 =	sadd.s32 $0xFFFFFFFF, s2;
	s5 =	spop (v2sf)  }
0x279: {  	p2 =	sne.s32 s0, $0x0;
	p1 =	sgt.u32 s5, $0x1FFFF0  }
.Ltmp40:
0x27a: {  	s6 =	sand.u32 @!p1 $0x1FFFF8, s5;
	(pc) =	sbr.rel @!p2 .LBB2_52-.Ltmp40, $4  }
0x27b: {  	s4 =	simm.s32 $0xF238;
	s5 =	sand.u32 @!p1 $0x7, s5;
	s2 =	sadd.s32 @!p1 s1, s6  }
0x27c: {  	[hbm4b:s2+s5] =	stream.linear.scatter @!p1 [tilespmem:s4], [sflag:$0x7], $0x80, $0x38;
	[tilespmem:$0x1F6F8] =	vst v63  }
0x27d: {  	s5 =	simm.s32 $0x0  }
0x27e: {  	s2 =	simm.s32 $0xF219;
	s5 =	simm.s32 @!p1 $0x200  }
.LBB2_51:
0x27f: {  	v0 =	vld.msk [tilespmem:s2+$0x0], $0x1;
	s0 =	sadd.s32 $0xFFFFFFFF, s0;
	s3 =	sadd.s32 s3, s5  }
0x280: {  	p1 =	sne.s32 s0, $0x0;
	_ =	sdelay $0x3  }
0x281: {  	(v2sf) =	vpush v0, $0x0;
	_ =	sdelay $0xe  }
.Ltmp41:
0x282: {  	s6 =	spop (v2sf);
	(pc) =	sbr.rel @p1 .LBB2_51-.Ltmp41, $4  }
0x283: {  	s5 =	simm.s32 $0x0;
	p2 =	sgt.u32 s6, $0x1FFFF0  }
0x284: {  	s4 =	sadd.s32 $0x80, s4;
	s5 =	simm.s32 @!p2 $0x200;
	s7 =	sand.u32 @!p2 $0x1FFFF8, s6  }
0x285: {  	s2 =	sadd.s32 $0x1, s2;
	s6 =	sand.u32 @!p2 $0x7, s6;
	s7 =	sadd.s32 @!p2 s1, s7  }
0x286: {  	[hbm4b:s7+s6] =	stream.linear.scatter @!p2 [tilespmem:s4], [sflag:$0x7], $0x80, $0x38;
	[tilespmem:$0x1F6F8] =	vst v63  }
.LBB2_52:
0x287: {  	s0 =	sadd.s32 s3, s5  }
0x288: {  	s3 =	sshrl.u32 s0, $0x2  }
.LBB2_53:
0x289: {  	s0 =	simm.s32 $0x7  }
0x28a: {  	_ =	swait.ge [sflag:s0], s3  }
0x28b: {  	s1 =	ssub.s32 $0x0, s3;
	[sflag:s0] =	ssyncset.done $0x0  }
0x28c: {  	[sflag:s0] =	ssyncadd.s32 s1  }
0x28d: {  	[sflag:s0] =	ssyncpa.u1 $0x1  }
.LBB2_54:
0x28e: {  	_ =	sfence;
	s0 =	simm.s32 $0x1  }
0x28f: {  	[sflag:s0] =	ssyncpa.u1 $0x1  }
0x290: {  	_ =	strace $0x9000004A  }
0x291: {  	[bflag:$0x2] =	sbarrier.arrive $0xFFFF  }
0x292: {  	s0 =	rddreg [dreg:$0x3]  }
0x293: {  	s0 =	sadd.s32 @!p0 $0x100000, s0  }
0x294: {  	[sflag:s0] =	ssyncadd.tile.s32 @!p0 $0x1;
	_ =	shalt  }
.Lfunc_end2:
_tile_overlayer_lowered:
.L_overlay_start_2:
0x295: {  	(tag) =	ssettag $0x2  }
0x296: {  	s0 =	rddreg [dreg:$0x0];
	s2 =	stileid.u32  }
0x297: {  	s1 =	rddreg [dreg:$0x1];
	p0 =	sne.s32 s2, $0x0  }
0x298: {  	s3 =	rddreg [dreg:$0x2];
	[bflag:$0x3] =	sbarrier.arrive $0xFFFF;
	s2 =	simm.s32 @!p0 $0x1C01  }
0x299: {  	[timem:s3], [sflag:s2] =	dma.local @!p0 [hbm:s0], s1  }
0x29a: {  	s0 =	simm.s32 @!p0 $0x1  }
0x29b: {  	_ =	swait.ge @!p0 [sflag:s0], s1  }
0x29c: {  	s1 =	ssub.s32 @!p0 $0x0, s1;
	[sflag:s0] =	ssyncset.done @!p0 $0x0  }
0x29d: {  	[sflag:s0] =	ssyncadd.s32 @!p0 s1  }
0x29e: {  	[bflag:$0x3] =	sbarrier.arrive $0xFFFF  }
0x29f: {  	_ =	shalt  }

</sc_bundles>
